<compile_context>
chip_gen: v7x
topology: tpu7x:2x2x1
jax: 0.10.2.dev20260603
libtpu: 0.0.44.dev20260713+nightly
codegen_flags: <defaults>
</compile_context>

<pallas_src>
import functools

import jax
import jax.numpy as jnp
from jax import lax
from jax.experimental import pallas as pl
from jax.experimental.pallas import tpu as pltpu
from jax.experimental.pallas import tpu_sc as plsc

VOCAB = 100000
D = 128
B = 4096
L = 200
TOT = B * L
NC = 2
NS = 16
NW = NC * NS
PER_W = TOT // NW
CHUNK = 128
NCH = PER_W // CHUNK
RING = 5
LOOKAHEAD = 3

_mesh = plsc.VectorSubcoreMesh(core_axis_name="c", subcore_axis_name="s")


@functools.partial(
    pl.kernel,
    mesh=_mesh,
    out_type=jax.ShapeDtypeStruct((TOT, D), jnp.float32),
    scratch_types=[
        pltpu.VMEM((NCH, CHUNK), jnp.int32),
        pltpu.VMEM((RING, CHUNK, D), jnp.float32),
    ] + [pltpu.SemaphoreType.DMA] * (2 * RING),
)
def _embed_gather(idx_hbm, table_hbm, out_hbm, idx_v, stage, *sems):
    gsems, ssems = sems[:RING], sems[RING:]
    cid = lax.axis_index("c")
    sid = lax.axis_index("s")
    wid = sid * NC + cid
    pltpu.sync_copy(idx_hbm.at[wid], idx_v)
    base = wid * PER_W

    def out_slab(j):
        return out_hbm.at[pl.ds(base + j * CHUNK, CHUNK)]

    def start_gather(j, r):
        pltpu.async_copy(table_hbm.at[idx_v.at[j]], stage.at[r], gsems[r])

    def wait_gather(r):
        pltpu.make_async_copy(
            table_hbm.at[pl.ds(0, CHUNK)], stage.at[r], gsems[r]
        ).wait()

    for r in range(LOOKAHEAD):
        start_gather(r, r)

    def round_body(i, carry):
        j0 = i * RING
        for r in range(RING):
            j = j0 + r
            wait_gather(r)
            pltpu.async_copy(stage.at[r], out_slab(j), ssems[r])
            jn = j + LOOKAHEAD
            rn = (r + LOOKAHEAD) % RING

            @pl.when(jn < NCH)
            def _():
                @pl.when(jn >= RING)
                def _():
                    pltpu.make_async_copy(
                        stage.at[rn], out_slab(jn - RING), ssems[rn]
                    ).wait()

                start_gather(jn, rn)
        return carry

    lax.fori_loop(0, NCH // RING, round_body, 0)

    for r in range(RING):
        j = NCH - RING + r
        pltpu.make_async_copy(stage.at[r], out_slab(j), ssems[r]).wait()


def kernel(w_id, table):
    idx = w_id.astype(jnp.int32).reshape(NW, NCH, CHUNK)
    out = _embed_gather(idx, table)
    return out.reshape(B, L, D)

# --- scband reference (transcript-rebuilt; emitter-appended) ---
"""Pipeline reference for scband-widdict-embedding-23252952940736 (READ-ONLY COPY).

The authoritative reference and input builder live on the scoring server;
editing this copy changes nothing except your own understanding.
"""

import jax, jax.numpy as jnp
import numpy as np

VOCAB = 100000
D_MODEL = 128
BATCH = 4096
SEQ = 200

def setup_inputs(seed: int = 0) -> dict:
    key = jax.random.key(seed)
    k1, k2 = jax.random.split(key)
    w_id = jax.random.randint(k1, (BATCH, SEQ), 0, VOCAB, dtype=jnp.int64 if jax.config.jax_enable_x64 else jnp.int32)
    table = jax.random.normal(k2, (VOCAB, D_MODEL), dtype=jnp.float32) * (1.0 / np.sqrt(D_MODEL))
    return {"w_id": w_id, "table": table}

def reference(w_id, table):
    # WIDDictEmbedding.forward: w_embed = self.word_embed(w_id); resize_layer is None
    w_embed = jnp.take(table, w_id, axis=0)  # [B, L, d_model]
    assert w_embed.shape[2] == D_MODEL
    return w_embed

if __name__ == "__main__":
    import jax
    _d = setup_inputs()
    print(jax.jit(kernel)(*tuple(_d.values())))

</pallas_src>

<mosaic_0001>
#map = affine_map<(d0, d1) -> (0, 0, 0)>
#map1 = affine_map<(d0, d1) -> (0, 0)>
module attributes {stable_mosaic.version = 14 : i64} {
  func.func @_embed_gather(%arg0: i32, %arg1: i32, %arg2: memref<32x200x128xi32, #tpu.memory_space<hbm>>, %arg3: memref<100000x128xf32, #tpu.memory_space<hbm>>, %arg4: memref<819200x128xf32, #tpu.memory_space<hbm>>, %arg5: memref<200x128xi32, #tpu.memory_space<vmem>>, %arg6: memref<5x128x128xf32, #tpu.memory_space<vmem>>, %arg7: memref<!tpu.dma_semaphore, #tpu.memory_space<semaphore_mem>>, %arg8: memref<!tpu.dma_semaphore, #tpu.memory_space<semaphore_mem>>, %arg9: memref<!tpu.dma_semaphore, #tpu.memory_space<semaphore_mem>>, %arg10: memref<!tpu.dma_semaphore, #tpu.memory_space<semaphore_mem>>, %arg11: memref<!tpu.dma_semaphore, #tpu.memory_space<semaphore_mem>>, %arg12: memref<!tpu.dma_semaphore, #tpu.memory_space<semaphore_mem>>, %arg13: memref<!tpu.dma_semaphore, #tpu.memory_space<semaphore_mem>>, %arg14: memref<!tpu.dma_semaphore, #tpu.memory_space<semaphore_mem>>, %arg15: memref<!tpu.dma_semaphore, #tpu.memory_space<semaphore_mem>>, %arg16: memref<!tpu.dma_semaphore, #tpu.memory_space<semaphore_mem>>) attributes {dimension_semantics = [#tpu.dimension_semantics<core_parallel>, #tpu.dimension_semantics<subcore_parallel>], iteration_bounds = array<i64: 2, 16>, scalar_prefetch = 0 : i64, scratch_operands = 12 : i64, tpu.core_type = #tpu.core_type<sc_vector_subcore>, window_params = [{transform_indices = #map}, {transform_indices = #map1}, {transform_indices = #map1}]} {
    %mul3A = arith.constant 2 : i32
    %mul3A_0 = arith.muli %arg1, %mul3A : i32
    %add3A = arith.addi %mul3A_0, %arg0 : i32
    "tpu.region"() ({
      %run_scoped3A = tpu.sem_alloc : memref<!tpu.dma_semaphore, #tpu.memory_space<semaphore_mem>>
      %dma_start3A_117 = arith.constant 0 : i32
      %dma_start3A_118 = arith.constant 0 : i32
      %dma_start3A_119 = tpu.memref_slice %arg2[%add3A, %dma_start3A_117, %dma_start3A_118] : memref<32x200x128xi32, #tpu.memory_space<hbm>> -> memref<1x200x128xi32, #tpu.memory_space<hbm>>
      %dma_start3A_120 = tpu.memref_squeeze %dma_start3A_119 : memref<1x200x128xi32, #tpu.memory_space<hbm>> -> memref<200x128xi32, #tpu.memory_space<hbm>>
      %dma_start3A_121 = arith.constant 0 : i32
      %dma_start3A_122 = arith.constant 0 : i32
      %dma_start3A_123 = tpu.memref_slice %arg2[%add3A, %dma_start3A_121, %dma_start3A_122] : memref<32x200x128xi32, #tpu.memory_space<hbm>> -> memref<1x200x128xi32, #tpu.memory_space<hbm>>
      %dma_start3A_124 = tpu.memref_squeeze %dma_start3A_123 : memref<1x200x128xi32, #tpu.memory_space<hbm>> -> memref<200x128xi32, #tpu.memory_space<hbm>>
      tpu.enqueue_dma source(%dma_start3A_124 : memref<200x128xi32, #tpu.memory_space<hbm>>) target(%arg5 : memref<200x128xi32, #tpu.memory_space<vmem>>) target_semaphore(%run_scoped3A : memref<!tpu.dma_semaphore, #tpu.memory_space<semaphore_mem>>)
      %dma_wait3A_125 = arith.constant 0 : i32
      %dma_wait3A_126 = arith.constant 0 : i32
      %dma_wait3A_127 = tpu.memref_slice %arg2[%add3A, %dma_wait3A_125, %dma_wait3A_126] : memref<32x200x128xi32, #tpu.memory_space<hbm>> -> memref<1x200x128xi32, #tpu.memory_space<hbm>>
      %dma_wait3A_128 = tpu.memref_squeeze %dma_wait3A_127 : memref<1x200x128xi32, #tpu.memory_space<hbm>> -> memref<200x128xi32, #tpu.memory_space<hbm>>
      %dma_wait3A_129 = arith.constant 0 : i32
      %dma_wait3A_130 = arith.constant 0 : i32
      %dma_wait3A_131 = tpu.memref_slice %arg2[%add3A, %dma_wait3A_129, %dma_wait3A_130] : memref<32x200x128xi32, #tpu.memory_space<hbm>> -> memref<1x200x128xi32, #tpu.memory_space<hbm>>
      %dma_wait3A_132 = tpu.memref_squeeze %dma_wait3A_131 : memref<1x200x128xi32, #tpu.memory_space<hbm>> -> memref<200x128xi32, #tpu.memory_space<hbm>>
      tpu.wait_dma2 semaphore(%run_scoped3A : memref<!tpu.dma_semaphore, #tpu.memory_space<semaphore_mem>>) src(%dma_wait3A_132 : memref<200x128xi32, #tpu.memory_space<hbm>>) dst(%arg5 : memref<200x128xi32, #tpu.memory_space<vmem>>)
      tpu.yield
    }) : () -> ()
    %mul3A_1 = arith.constant 25600 : i32
    %mul3A_2 = arith.muli %add3A, %mul3A_1 : i32
    %dma_start3A = arith.constant 0 : i32
    %dma_start3A_3 = arith.constant 0 : i32
    %dma_start3A_4 = arith.constant 0 : i32
    %dma_start3A_5 = arith.constant 0 : i32
    %dma_start3A_6 = tpu.memref_slice %arg6[%dma_start3A_3, %dma_start3A_4, %dma_start3A_5] : memref<5x128x128xf32, #tpu.memory_space<vmem>> -> memref<1x128x128xf32, #tpu.memory_space<vmem>>
    %dma_start3A_7 = tpu.memref_squeeze %dma_start3A_6 : memref<1x128x128xf32, #tpu.memory_space<vmem>> -> memref<128x128xf32, #tpu.memory_space<vmem>>
    %dma_start3A_8 = arith.constant 0 : i32
    %dma_start3A_9 = tpu.memref_slice %arg5[%dma_start3A, %dma_start3A_8] : memref<200x128xi32, #tpu.memory_space<vmem>> -> memref<1x128xi32, #tpu.memory_space<vmem>>
    %dma_start3A_10 = tpu.memref_squeeze %dma_start3A_9 : memref<1x128xi32, #tpu.memory_space<vmem>> -> memref<128xi32, #tpu.memory_space<vmem>>
    %dma_start3A_11 = arith.constant 0 : i32
    %dma_start3A_12 = arith.constant 0 : i32
    %dma_start3A_13 = tpu.memref_slice %arg3[%dma_start3A_11, %dma_start3A_12] : memref<100000x128xf32, #tpu.memory_space<hbm>> -> memref<100000x128xf32, #tpu.memory_space<hbm>>
    tpu.enqueue_indirect_dma source(%dma_start3A_13 : memref<100000x128xf32, #tpu.memory_space<hbm>>) target(%dma_start3A_7 : memref<128x128xf32, #tpu.memory_space<vmem>>) offsets(%dma_start3A_10 : memref<128xi32, #tpu.memory_space<vmem>>) semaphore(%arg7 : memref<!tpu.dma_semaphore, #tpu.memory_space<semaphore_mem>>)
    %dma_start3A_14 = arith.constant 1 : i32
    %dma_start3A_15 = arith.constant 1 : i32
    %dma_start3A_16 = arith.constant 0 : i32
    %dma_start3A_17 = arith.constant 0 : i32
    %dma_start3A_18 = tpu.memref_slice %arg6[%dma_start3A_15, %dma_start3A_16, %dma_start3A_17] : memref<5x128x128xf32, #tpu.memory_space<vmem>> -> memref<1x128x128xf32, #tpu.memory_space<vmem>>
    %dma_start3A_19 = tpu.memref_squeeze %dma_start3A_18 : memref<1x128x128xf32, #tpu.memory_space<vmem>> -> memref<128x128xf32, #tpu.memory_space<vmem>>
    %dma_start3A_20 = arith.constant 0 : i32
    %dma_start3A_21 = tpu.memref_slice %arg5[%dma_start3A_14, %dma_start3A_20] : memref<200x128xi32, #tpu.memory_space<vmem>> -> memref<1x128xi32, #tpu.memory_space<vmem>>
    %dma_start3A_22 = tpu.memref_squeeze %dma_start3A_21 : memref<1x128xi32, #tpu.memory_space<vmem>> -> memref<128xi32, #tpu.memory_space<vmem>>
    %dma_start3A_23 = arith.constant 0 : i32
    %dma_start3A_24 = arith.constant 0 : i32
    %dma_start3A_25 = tpu.memref_slice %arg3[%dma_start3A_23, %dma_start3A_24] : memref<100000x128xf32, #tpu.memory_space<hbm>> -> memref<100000x128xf32, #tpu.memory_space<hbm>>
    tpu.enqueue_indirect_dma source(%dma_start3A_25 : memref<100000x128xf32, #tpu.memory_space<hbm>>) target(%dma_start3A_19 : memref<128x128xf32, #tpu.memory_space<vmem>>) offsets(%dma_start3A_22 : memref<128xi32, #tpu.memory_space<vmem>>) semaphore(%arg8 : memref<!tpu.dma_semaphore, #tpu.memory_space<semaphore_mem>>)
    %dma_start3A_26 = arith.constant 2 : i32
    %dma_start3A_27 = arith.constant 2 : i32
    %dma_start3A_28 = arith.constant 0 : i32
    %dma_start3A_29 = arith.constant 0 : i32
    %dma_start3A_30 = tpu.memref_slice %arg6[%dma_start3A_27, %dma_start3A_28, %dma_start3A_29] : memref<5x128x128xf32, #tpu.memory_space<vmem>> -> memref<1x128x128xf32, #tpu.memory_space<vmem>>
    %dma_start3A_31 = tpu.memref_squeeze %dma_start3A_30 : memref<1x128x128xf32, #tpu.memory_space<vmem>> -> memref<128x128xf32, #tpu.memory_space<vmem>>
    %dma_start3A_32 = arith.constant 0 : i32
    %dma_start3A_33 = tpu.memref_slice %arg5[%dma_start3A_26, %dma_start3A_32] : memref<200x128xi32, #tpu.memory_space<vmem>> -> memref<1x128xi32, #tpu.memory_space<vmem>>
    %dma_start3A_34 = tpu.memref_squeeze %dma_start3A_33 : memref<1x128xi32, #tpu.memory_space<vmem>> -> memref<128xi32, #tpu.memory_space<vmem>>
    %dma_start3A_35 = arith.constant 0 : i32
    %dma_start3A_36 = arith.constant 0 : i32
    %dma_start3A_37 = tpu.memref_slice %arg3[%dma_start3A_35, %dma_start3A_36] : memref<100000x128xf32, #tpu.memory_space<hbm>> -> memref<100000x128xf32, #tpu.memory_space<hbm>>
    tpu.enqueue_indirect_dma source(%dma_start3A_37 : memref<100000x128xf32, #tpu.memory_space<hbm>>) target(%dma_start3A_31 : memref<128x128xf32, #tpu.memory_space<vmem>>) offsets(%dma_start3A_34 : memref<128xi32, #tpu.memory_space<vmem>>) semaphore(%arg9 : memref<!tpu.dma_semaphore, #tpu.memory_space<semaphore_mem>>)
    %scan3A = arith.constant 0 : i32
    %scan3A_38 = arith.constant 0 : i32
    %scan3A_39 = arith.constant 40 : i32
    %scan3A_40 = arith.addi %scan3A_38, %scan3A_39 : i32
    %scan3A_41 = arith.constant 1 : i32
    scf.for %scan3A_117 = %scan3A_38 to %scan3A_40 step %scan3A_41  : i32 {
      %mul3A_118 = arith.constant 5 : i32
      %mul3A_119 = arith.muli %scan3A_117, %mul3A_118 : i32
      %add3A_120 = arith.constant 0 : i32
      %add3A_121 = arith.addi %mul3A_119, %add3A_120 : i32
      %dma_wait3A_122 = arith.constant 0 : i32
      %dma_wait3A_123 = arith.constant 0 : i32
      %dma_wait3A_124 = arith.constant 0 : i32
      %dma_wait3A_125 = tpu.memref_slice %arg6[%dma_wait3A_122, %dma_wait3A_123, %dma_wait3A_124] : memref<5x128x128xf32, #tpu.memory_space<vmem>> -> memref<1x128x128xf32, #tpu.memory_space<vmem>>
      %dma_wait3A_126 = tpu.memref_squeeze %dma_wait3A_125 : memref<1x128x128xf32, #tpu.memory_space<vmem>> -> memref<128x128xf32, #tpu.memory_space<vmem>>
      %dma_wait3A_127 = arith.constant 0 : i32
      %dma_wait3A_128 = arith.constant 0 : i32
      %dma_wait3A_129 = tpu.memref_slice %arg3[%dma_wait3A_127, %dma_wait3A_128] : memref<100000x128xf32, #tpu.memory_space<hbm>> -> memref<128x128xf32, #tpu.memory_space<hbm>>
      %dma_wait3A_130 = arith.constant 0 : i32
      %dma_wait3A_131 = arith.constant 0 : i32
      %dma_wait3A_132 = tpu.memref_slice %arg6[%dma_wait3A_122, %dma_wait3A_130, %dma_wait3A_131] : memref<5x128x128xf32, #tpu.memory_space<vmem>> -> memref<1x128x128xf32, #tpu.memory_space<vmem>>
      %dma_wait3A_133 = tpu.memref_squeeze %dma_wait3A_132 : memref<1x128x128xf32, #tpu.memory_space<vmem>> -> memref<128x128xf32, #tpu.memory_space<vmem>>
      %dma_wait3A_134 = arith.constant 0 : i32
      %dma_wait3A_135 = arith.constant 0 : i32
      %dma_wait3A_136 = tpu.memref_slice %arg3[%dma_wait3A_134, %dma_wait3A_135] : memref<100000x128xf32, #tpu.memory_space<hbm>> -> memref<128x128xf32, #tpu.memory_space<hbm>>
      tpu.wait_dma2 semaphore(%arg7 : memref<!tpu.dma_semaphore, #tpu.memory_space<semaphore_mem>>) src(%dma_wait3A_136 : memref<128x128xf32, #tpu.memory_space<hbm>>) dst(%dma_wait3A_133 : memref<128x128xf32, #tpu.memory_space<vmem>>)
      %mul3A_137 = arith.constant 128 : i32
      %mul3A_138 = arith.muli %add3A_121, %mul3A_137 : i32
      %add3A_139 = arith.addi %mul3A_2, %mul3A_138 : i32
      %dma_start3A_140 = arith.constant 0 : i32
      %dma_start3A_141 = arith.constant 0 : i32
      %dma_start3A_142 = arith.constant 0 : i32
      %dma_start3A_143 = tpu.memref_slice %arg6[%dma_start3A_140, %dma_start3A_141, %dma_start3A_142] : memref<5x128x128xf32, #tpu.memory_space<vmem>> -> memref<1x128x128xf32, #tpu.memory_space<vmem>>
      %dma_start3A_144 = tpu.memref_squeeze %dma_start3A_143 : memref<1x128x128xf32, #tpu.memory_space<vmem>> -> memref<128x128xf32, #tpu.memory_space<vmem>>
      %dma_start3A_145 = arith.constant 0 : i32
      %dma_start3A_146 = tpu.memref_slice %arg4[%add3A_139, %dma_start3A_145] : memref<819200x128xf32, #tpu.memory_space<hbm>> -> memref<128x128xf32, #tpu.memory_space<hbm>>
      %dma_start3A_147 = arith.constant 0 : i32
      %dma_start3A_148 = tpu.memref_slice %arg4[%add3A_139, %dma_start3A_147] : memref<819200x128xf32, #tpu.memory_space<hbm>> -> memref<128x128xf32, #tpu.memory_space<hbm>>
      %dma_start3A_149 = arith.constant 0 : i32
      %dma_start3A_150 = arith.constant 0 : i32
      %dma_start3A_151 = tpu.memref_slice %arg6[%dma_start3A_140, %dma_start3A_149, %dma_start3A_150] : memref<5x128x128xf32, #tpu.memory_space<vmem>> -> memref<1x128x128xf32, #tpu.memory_space<vmem>>
      %dma_start3A_152 = tpu.memref_squeeze %dma_start3A_151 : memref<1x128x128xf32, #tpu.memory_space<vmem>> -> memref<128x128xf32, #tpu.memory_space<vmem>>
      tpu.enqueue_dma source(%dma_start3A_152 : memref<128x128xf32, #tpu.memory_space<vmem>>) target(%dma_start3A_148 : memref<128x128xf32, #tpu.memory_space<hbm>>) target_semaphore(%arg12 : memref<!tpu.dma_semaphore, #tpu.memory_space<semaphore_mem>>)
      %add3A_153 = arith.constant 3 : i32
      %add3A_154 = arith.addi %add3A_121, %add3A_153 : i32
      %lt3A = arith.constant 200 : i32
      %lt3A_155 = arith.cmpi slt, %add3A_154, %lt3A : i32
      %convert_element_type3A = arith.extui %lt3A_155 : i1 to i32
      %cond3A = arith.constant 0 : i32
      %cond3A_156 = arith.cmpi ne, %convert_element_type3A, %cond3A : i32
      scf.if %cond3A_156 {
        %ge3A = arith.constant 5 : i32
        %ge3A_317 = arith.cmpi sge, %add3A_154, %ge3A : i32
        %convert_element_type3A_318 = arith.extui %ge3A_317 : i1 to i32
        %cond3A_319 = arith.constant 0 : i32
        %cond3A_320 = arith.cmpi ne, %convert_element_type3A_318, %cond3A_319 : i32
        scf.if %cond3A_320 {
          %sub3A = arith.constant 5 : i32
          %sub3A_332 = arith.subi %add3A_154, %sub3A : i32
          %mul3A_333 = arith.constant 128 : i32
          %mul3A_334 = arith.muli %sub3A_332, %mul3A_333 : i32
          %add3A_335 = arith.addi %mul3A_2, %mul3A_334 : i32
          %dma_wait3A_336 = arith.constant 3 : i32
          %dma_wait3A_337 = arith.constant 0 : i32
          %dma_wait3A_338 = arith.constant 0 : i32
          %dma_wait3A_339 = tpu.memref_slice %arg6[%dma_wait3A_336, %dma_wait3A_337, %dma_wait3A_338] : memref<5x128x128xf32, #tpu.memory_space<vmem>> -> memref<1x128x128xf32, #tpu.memory_space<vmem>>
          %dma_wait3A_340 = tpu.memref_squeeze %dma_wait3A_339 : memref<1x128x128xf32, #tpu.memory_space<vmem>> -> memref<128x128xf32, #tpu.memory_space<vmem>>
          %dma_wait3A_341 = arith.constant 0 : i32
          %dma_wait3A_342 = tpu.memref_slice %arg4[%add3A_335, %dma_wait3A_341] : memref<819200x128xf32, #tpu.memory_space<hbm>> -> memref<128x128xf32, #tpu.memory_space<hbm>>
          %dma_wait3A_343 = arith.constant 0 : i32
          %dma_wait3A_344 = tpu.memref_slice %arg4[%add3A_335, %dma_wait3A_343] : memref<819200x128xf32, #tpu.memory_space<hbm>> -> memref<128x128xf32, #tpu.memory_space<hbm>>
          %dma_wait3A_345 = arith.constant 0 : i32
          %dma_wait3A_346 = arith.constant 0 : i32
          %dma_wait3A_347 = tpu.memref_slice %arg6[%dma_wait3A_336, %dma_wait3A_345, %dma_wait3A_346] : memref<5x128x128xf32, #tpu.memory_space<vmem>> -> memref<1x128x128xf32, #tpu.memory_space<vmem>>
          %dma_wait3A_348 = tpu.memref_squeeze %dma_wait3A_347 : memref<1x128x128xf32, #tpu.memory_space<vmem>> -> memref<128x128xf32, #tpu.memory_space<vmem>>
          tpu.wait_dma2 semaphore(%arg15 : memref<!tpu.dma_semaphore, #tpu.memory_space<semaphore_mem>>) src(%dma_wait3A_348 : memref<128x128xf32, #tpu.memory_space<vmem>>) dst(%dma_wait3A_344 : memref<128x128xf32, #tpu.memory_space<hbm>>)
        } else {
        }
        %dma_start3A_321 = arith.constant 3 : i32
        %dma_start3A_322 = arith.constant 0 : i32
        %dma_start3A_323 = arith.constant 0 : i32
        %dma_start3A_324 = tpu.memref_slice %arg6[%dma_start3A_321, %dma_start3A_322, %dma_start3A_323] : memref<5x128x128xf32, #tpu.memory_space<vmem>> -> memref<1x128x128xf32, #tpu.memory_space<vmem>>
        %dma_start3A_325 = tpu.memref_squeeze %dma_start3A_324 : memref<1x128x128xf32, #tpu.memory_space<vmem>> -> memref<128x128xf32, #tpu.memory_space<vmem>>
        %dma_start3A_326 = arith.constant 0 : i32
        %dma_start3A_327 = tpu.memref_slice %arg5[%add3A_154, %dma_start3A_326] : memref<200x128xi32, #tpu.memory_space<vmem>> -> memref<1x128xi32, #tpu.memory_space<vmem>>
        %dma_start3A_328 = tpu.memref_squeeze %dma_start3A_327 : memref<1x128xi32, #tpu.memory_space<vmem>> -> memref<128xi32, #tpu.memory_space<vmem>>
        %dma_start3A_329 = arith.constant 0 : i32
        %dma_start3A_330 = arith.constant 0 : i32
        %dma_start3A_331 = tpu.memref_slice %arg3[%dma_start3A_329, %dma_start3A_330] : memref<100000x128xf32, #tpu.memory_space<hbm>> -> memref<100000x128xf32, #tpu.memory_space<hbm>>
        tpu.enqueue_indirect_dma source(%dma_start3A_331 : memref<100000x128xf32, #tpu.memory_space<hbm>>) target(%dma_start3A_325 : memref<128x128xf32, #tpu.memory_space<vmem>>) offsets(%dma_start3A_328 : memref<128xi32, #tpu.memory_space<vmem>>) semaphore(%arg10 : memref<!tpu.dma_semaphore, #tpu.memory_space<semaphore_mem>>)
      } else {
      }
      %add3A_157 = arith.constant 1 : i32
      %add3A_158 = arith.addi %mul3A_119, %add3A_157 : i32
      %dma_wait3A_159 = arith.constant 1 : i32
      %dma_wait3A_160 = arith.constant 0 : i32
      %dma_wait3A_161 = arith.constant 0 : i32
      %dma_wait3A_162 = tpu.memref_slice %arg6[%dma_wait3A_159, %dma_wait3A_160, %dma_wait3A_161] : memref<5x128x128xf32, #tpu.memory_space<vmem>> -> memref<1x128x128xf32, #tpu.memory_space<vmem>>
      %dma_wait3A_163 = tpu.memref_squeeze %dma_wait3A_162 : memref<1x128x128xf32, #tpu.memory_space<vmem>> -> memref<128x128xf32, #tpu.memory_space<vmem>>
      %dma_wait3A_164 = arith.constant 0 : i32
      %dma_wait3A_165 = arith.constant 0 : i32
      %dma_wait3A_166 = tpu.memref_slice %arg3[%dma_wait3A_164, %dma_wait3A_165] : memref<100000x128xf32, #tpu.memory_space<hbm>> -> memref<128x128xf32, #tpu.memory_space<hbm>>
      %dma_wait3A_167 = arith.constant 0 : i32
      %dma_wait3A_168 = arith.constant 0 : i32
      %dma_wait3A_169 = tpu.memref_slice %arg6[%dma_wait3A_159, %dma_wait3A_167, %dma_wait3A_168] : memref<5x128x128xf32, #tpu.memory_space<vmem>> -> memref<1x128x128xf32, #tpu.memory_space<vmem>>
      %dma_wait3A_170 = tpu.memref_squeeze %dma_wait3A_169 : memref<1x128x128xf32, #tpu.memory_space<vmem>> -> memref<128x128xf32, #tpu.memory_space<vmem>>
      %dma_wait3A_171 = arith.constant 0 : i32
      %dma_wait3A_172 = arith.constant 0 : i32
      %dma_wait3A_173 = tpu.memref_slice %arg3[%dma_wait3A_171, %dma_wait3A_172] : memref<100000x128xf32, #tpu.memory_space<hbm>> -> memref<128x128xf32, #tpu.memory_space<hbm>>
      tpu.wait_dma2 semaphore(%arg8 : memref<!tpu.dma_semaphore, #tpu.memory_space<semaphore_mem>>) src(%dma_wait3A_173 : memref<128x128xf32, #tpu.memory_space<hbm>>) dst(%dma_wait3A_170 : memref<128x128xf32, #tpu.memory_space<vmem>>)
      %mul3A_174 = arith.constant 128 : i32
      %mul3A_175 = arith.muli %add3A_158, %mul3A_174 : i32
      %add3A_176 = arith.addi %mul3A_2, %mul3A_175 : i32
      %dma_start3A_177 = arith.constant 1 : i32
      %dma_start3A_178 = arith.constant 0 : i32
      %dma_start3A_179 = arith.constant 0 : i32
      %dma_start3A_180 = tpu.memref_slice %arg6[%dma_start3A_177, %dma_start3A_178, %dma_start3A_179] : memref<5x128x128xf32, #tpu.memory_space<vmem>> -> memref<1x128x128xf32, #tpu.memory_space<vmem>>
      %dma_start3A_181 = tpu.memref_squeeze %dma_start3A_180 : memref<1x128x128xf32, #tpu.memory_space<vmem>> -> memref<128x128xf32, #tpu.memory_space<vmem>>
      %dma_start3A_182 = arith.constant 0 : i32
      %dma_start3A_183 = tpu.memref_slice %arg4[%add3A_176, %dma_start3A_182] : memref<819200x128xf32, #tpu.memory_space<hbm>> -> memref<128x128xf32, #tpu.memory_space<hbm>>
      %dma_start3A_184 = arith.constant 0 : i32
      %dma_start3A_185 = tpu.memref_slice %arg4[%add3A_176, %dma_start3A_184] : memref<819200x128xf32, #tpu.memory_space<hbm>> -> memref<128x128xf32, #tpu.memory_space<hbm>>
      %dma_start3A_186 = arith.constant 0 : i32
      %dma_start3A_187 = arith.constant 0 : i32
      %dma_start3A_188 = tpu.memref_slice %arg6[%dma_start3A_177, %dma_start3A_186, %dma_start3A_187] : memref<5x128x128xf32, #tpu.memory_space<vmem>> -> memref<1x128x128xf32, #tpu.memory_space<vmem>>
      %dma_start3A_189 = tpu.memref_squeeze %dma_start3A_188 : memref<1x128x128xf32, #tpu.memory_space<vmem>> -> memref<128x128xf32, #tpu.memory_space<vmem>>
      tpu.enqueue_dma source(%dma_start3A_189 : memref<128x128xf32, #tpu.memory_space<vmem>>) target(%dma_start3A_185 : memref<128x128xf32, #tpu.memory_space<hbm>>) target_semaphore(%arg13 : memref<!tpu.dma_semaphore, #tpu.memory_space<semaphore_mem>>)
      %add3A_190 = arith.constant 3 : i32
      %add3A_191 = arith.addi %add3A_158, %add3A_190 : i32
      %lt3A_192 = arith.constant 200 : i32
      %lt3A_193 = arith.cmpi slt, %add3A_191, %lt3A_192 : i32
      %convert_element_type3A_194 = arith.extui %lt3A_193 : i1 to i32
      %cond3A_195 = arith.constant 0 : i32
      %cond3A_196 = arith.cmpi ne, %convert_element_type3A_194, %cond3A_195 : i32
      scf.if %cond3A_196 {
        %ge3A = arith.constant 5 : i32
        %ge3A_317 = arith.cmpi sge, %add3A_191, %ge3A : i32
        %convert_element_type3A_318 = arith.extui %ge3A_317 : i1 to i32
        %cond3A_319 = arith.constant 0 : i32
        %cond3A_320 = arith.cmpi ne, %convert_element_type3A_318, %cond3A_319 : i32
        scf.if %cond3A_320 {
          %sub3A = arith.constant 5 : i32
          %sub3A_332 = arith.subi %add3A_191, %sub3A : i32
          %mul3A_333 = arith.constant 128 : i32
          %mul3A_334 = arith.muli %sub3A_332, %mul3A_333 : i32
          %add3A_335 = arith.addi %mul3A_2, %mul3A_334 : i32
          %dma_wait3A_336 = arith.constant 4 : i32
          %dma_wait3A_337 = arith.constant 0 : i32
          %dma_wait3A_338 = arith.constant 0 : i32
          %dma_wait3A_339 = tpu.memref_slice %arg6[%dma_wait3A_336, %dma_wait3A_337, %dma_wait3A_338] : memref<5x128x128xf32, #tpu.memory_space<vmem>> -> memref<1x128x128xf32, #tpu.memory_space<vmem>>
          %dma_wait3A_340 = tpu.memref_squeeze %dma_wait3A_339 : memref<1x128x128xf32, #tpu.memory_space<vmem>> -> memref<128x128xf32, #tpu.memory_space<vmem>>
          %dma_wait3A_341 = arith.constant 0 : i32
          %dma_wait3A_342 = tpu.memref_slice %arg4[%add3A_335, %dma_wait3A_341] : memref<819200x128xf32, #tpu.memory_space<hbm>> -> memref<128x128xf32, #tpu.memory_space<hbm>>
          %dma_wait3A_343 = arith.constant 0 : i32
          %dma_wait3A_344 = tpu.memref_slice %arg4[%add3A_335, %dma_wait3A_343] : memref<819200x128xf32, #tpu.memory_space<hbm>> -> memref<128x128xf32, #tpu.memory_space<hbm>>
          %dma_wait3A_345 = arith.constant 0 : i32
          %dma_wait3A_346 = arith.constant 0 : i32
          %dma_wait3A_347 = tpu.memref_slice %arg6[%dma_wait3A_336, %dma_wait3A_345, %dma_wait3A_346] : memref<5x128x128xf32, #tpu.memory_space<vmem>> -> memref<1x128x128xf32, #tpu.memory_space<vmem>>
          %dma_wait3A_348 = tpu.memref_squeeze %dma_wait3A_347 : memref<1x128x128xf32, #tpu.memory_space<vmem>> -> memref<128x128xf32, #tpu.memory_space<vmem>>
          tpu.wait_dma2 semaphore(%arg16 : memref<!tpu.dma_semaphore, #tpu.memory_space<semaphore_mem>>) src(%dma_wait3A_348 : memref<128x128xf32, #tpu.memory_space<vmem>>) dst(%dma_wait3A_344 : memref<128x128xf32, #tpu.memory_space<hbm>>)
        } else {
        }
        %dma_start3A_321 = arith.constant 4 : i32
        %dma_start3A_322 = arith.constant 0 : i32
        %dma_start3A_323 = arith.constant 0 : i32
        %dma_start3A_324 = tpu.memref_slice %arg6[%dma_start3A_321, %dma_start3A_322, %dma_start3A_323] : memref<5x128x128xf32, #tpu.memory_space<vmem>> -> memref<1x128x128xf32, #tpu.memory_space<vmem>>
        %dma_start3A_325 = tpu.memref_squeeze %dma_start3A_324 : memref<1x128x128xf32, #tpu.memory_space<vmem>> -> memref<128x128xf32, #tpu.memory_space<vmem>>
        %dma_start3A_326 = arith.constant 0 : i32
        %dma_start3A_327 = tpu.memref_slice %arg5[%add3A_191, %dma_start3A_326] : memref<200x128xi32, #tpu.memory_space<vmem>> -> memref<1x128xi32, #tpu.memory_space<vmem>>
        %dma_start3A_328 = tpu.memref_squeeze %dma_start3A_327 : memref<1x128xi32, #tpu.memory_space<vmem>> -> memref<128xi32, #tpu.memory_space<vmem>>
        %dma_start3A_329 = arith.constant 0 : i32
        %dma_start3A_330 = arith.constant 0 : i32
        %dma_start3A_331 = tpu.memref_slice %arg3[%dma_start3A_329, %dma_start3A_330] : memref<100000x128xf32, #tpu.memory_space<hbm>> -> memref<100000x128xf32, #tpu.memory_space<hbm>>
        tpu.enqueue_indirect_dma source(%dma_start3A_331 : memref<100000x128xf32, #tpu.memory_space<hbm>>) target(%dma_start3A_325 : memref<128x128xf32, #tpu.memory_space<vmem>>) offsets(%dma_start3A_328 : memref<128xi32, #tpu.memory_space<vmem>>) semaphore(%arg11 : memref<!tpu.dma_semaphore, #tpu.memory_space<semaphore_mem>>)
      } else {
      }
      %add3A_197 = arith.constant 2 : i32
      %add3A_198 = arith.addi %mul3A_119, %add3A_197 : i32
      %dma_wait3A_199 = arith.constant 2 : i32
      %dma_wait3A_200 = arith.constant 0 : i32
      %dma_wait3A_201 = arith.constant 0 : i32
      %dma_wait3A_202 = tpu.memref_slice %arg6[%dma_wait3A_199, %dma_wait3A_200, %dma_wait3A_201] : memref<5x128x128xf32, #tpu.memory_space<vmem>> -> memref<1x128x128xf32, #tpu.memory_space<vmem>>
      %dma_wait3A_203 = tpu.memref_squeeze %dma_wait3A_202 : memref<1x128x128xf32, #tpu.memory_space<vmem>> -> memref<128x128xf32, #tpu.memory_space<vmem>>
      %dma_wait3A_204 = arith.constant 0 : i32
      %dma_wait3A_205 = arith.constant 0 : i32
      %dma_wait3A_206 = tpu.memref_slice %arg3[%dma_wait3A_204, %dma_wait3A_205] : memref<100000x128xf32, #tpu.memory_space<hbm>> -> memref<128x128xf32, #tpu.memory_space<hbm>>
      %dma_wait3A_207 = arith.constant 0 : i32
      %dma_wait3A_208 = arith.constant 0 : i32
      %dma_wait3A_209 = tpu.memref_slice %arg6[%dma_wait3A_199, %dma_wait3A_207, %dma_wait3A_208] : memref<5x128x128xf32, #tpu.memory_space<vmem>> -> memref<1x128x128xf32, #tpu.memory_space<vmem>>
      %dma_wait3A_210 = tpu.memref_squeeze %dma_wait3A_209 : memref<1x128x128xf32, #tpu.memory_space<vmem>> -> memref<128x128xf32, #tpu.memory_space<vmem>>
      %dma_wait3A_211 = arith.constant 0 : i32
      %dma_wait3A_212 = arith.constant 0 : i32
      %dma_wait3A_213 = tpu.memref_slice %arg3[%dma_wait3A_211, %dma_wait3A_212] : memref<100000x128xf32, #tpu.memory_space<hbm>> -> memref<128x128xf32, #tpu.memory_space<hbm>>
      tpu.wait_dma2 semaphore(%arg9 : memref<!tpu.dma_semaphore, #tpu.memory_space<semaphore_mem>>) src(%dma_wait3A_213 : memref<128x128xf32, #tpu.memory_space<hbm>>) dst(%dma_wait3A_210 : memref<128x128xf32, #tpu.memory_space<vmem>>)
      %mul3A_214 = arith.constant 128 : i32
      %mul3A_215 = arith.muli %add3A_198, %mul3A_214 : i32
      %add3A_216 = arith.addi %mul3A_2, %mul3A_215 : i32
      %dma_start3A_217 = arith.constant 2 : i32
      %dma_start3A_218 = arith.constant 0 : i32
      %dma_start3A_219 = arith.constant 0 : i32
      %dma_start3A_220 = tpu.memref_slice %arg6[%dma_start3A_217, %dma_start3A_218, %dma_start3A_219] : memref<5x128x128xf32, #tpu.memory_space<vmem>> -> memref<1x128x128xf32, #tpu.memory_space<vmem>>
      %dma_start3A_221 = tpu.memref_squeeze %dma_start3A_220 : memref<1x128x128xf32, #tpu.memory_space<vmem>> -> memref<128x128xf32, #tpu.memory_space<vmem>>
      %dma_start3A_222 = arith.constant 0 : i32
      %dma_start3A_223 = tpu.memref_slice %arg4[%add3A_216, %dma_start3A_222] : memref<819200x128xf32, #tpu.memory_space<hbm>> -> memref<128x128xf32, #tpu.memory_space<hbm>>
      %dma_start3A_224 = arith.constant 0 : i32
      %dma_start3A_225 = tpu.memref_slice %arg4[%add3A_216, %dma_start3A_224] : memref<819200x128xf32, #tpu.memory_space<hbm>> -> memref<128x128xf32, #tpu.memory_space<hbm>>
      %dma_start3A_226 = arith.constant 0 : i32
      %dma_start3A_227 = arith.constant 0 : i32
      %dma_start3A_228 = tpu.memref_slice %arg6[%dma_start3A_217, %dma_start3A_226, %dma_start3A_227] : memref<5x128x128xf32, #tpu.memory_space<vmem>> -> memref<1x128x128xf32, #tpu.memory_space<vmem>>
      %dma_start3A_229 = tpu.memref_squeeze %dma_start3A_228 : memref<1x128x128xf32, #tpu.memory_space<vmem>> -> memref<128x128xf32, #tpu.memory_space<vmem>>
      tpu.enqueue_dma source(%dma_start3A_229 : memref<128x128xf32, #tpu.memory_space<vmem>>) target(%dma_start3A_225 : memref<128x128xf32, #tpu.memory_space<hbm>>) target_semaphore(%arg14 : memref<!tpu.dma_semaphore, #tpu.memory_space<semaphore_mem>>)
      %add3A_230 = arith.constant 3 : i32
      %add3A_231 = arith.addi %add3A_198, %add3A_230 : i32
      %lt3A_232 = arith.constant 200 : i32
      %lt3A_233 = arith.cmpi slt, %add3A_231, %lt3A_232 : i32
      %convert_element_type3A_234 = arith.extui %lt3A_233 : i1 to i32
      %cond3A_235 = arith.constant 0 : i32
      %cond3A_236 = arith.cmpi ne, %convert_element_type3A_234, %cond3A_235 : i32
      scf.if %cond3A_236 {
        %ge3A = arith.constant 5 : i32
        %ge3A_317 = arith.cmpi sge, %add3A_231, %ge3A : i32
        %convert_element_type3A_318 = arith.extui %ge3A_317 : i1 to i32
        %cond3A_319 = arith.constant 0 : i32
        %cond3A_320 = arith.cmpi ne, %convert_element_type3A_318, %cond3A_319 : i32
        scf.if %cond3A_320 {
          %sub3A = arith.constant 5 : i32
          %sub3A_332 = arith.subi %add3A_231, %sub3A : i32
          %mul3A_333 = arith.constant 128 : i32
          %mul3A_334 = arith.muli %sub3A_332, %mul3A_333 : i32
          %add3A_335 = arith.addi %mul3A_2, %mul3A_334 : i32
          %dma_wait3A_336 = arith.constant 0 : i32
          %dma_wait3A_337 = arith.constant 0 : i32
          %dma_wait3A_338 = arith.constant 0 : i32
          %dma_wait3A_339 = tpu.memref_slice %arg6[%dma_wait3A_336, %dma_wait3A_337, %dma_wait3A_338] : memref<5x128x128xf32, #tpu.memory_space<vmem>> -> memref<1x128x128xf32, #tpu.memory_space<vmem>>
          %dma_wait3A_340 = tpu.memref_squeeze %dma_wait3A_339 : memref<1x128x128xf32, #tpu.memory_space<vmem>> -> memref<128x128xf32, #tpu.memory_space<vmem>>
          %dma_wait3A_341 = arith.constant 0 : i32
          %dma_wait3A_342 = tpu.memref_slice %arg4[%add3A_335, %dma_wait3A_341] : memref<819200x128xf32, #tpu.memory_space<hbm>> -> memref<128x128xf32, #tpu.memory_space<hbm>>
          %dma_wait3A_343 = arith.constant 0 : i32
          %dma_wait3A_344 = tpu.memref_slice %arg4[%add3A_335, %dma_wait3A_343] : memref<819200x128xf32, #tpu.memory_space<hbm>> -> memref<128x128xf32, #tpu.memory_space<hbm>>
          %dma_wait3A_345 = arith.constant 0 : i32
          %dma_wait3A_346 = arith.constant 0 : i32
          %dma_wait3A_347 = tpu.memref_slice %arg6[%dma_wait3A_336, %dma_wait3A_345, %dma_wait3A_346] : memref<5x128x128xf32, #tpu.memory_space<vmem>> -> memref<1x128x128xf32, #tpu.memory_space<vmem>>
          %dma_wait3A_348 = tpu.memref_squeeze %dma_wait3A_347 : memref<1x128x128xf32, #tpu.memory_space<vmem>> -> memref<128x128xf32, #tpu.memory_space<vmem>>
          tpu.wait_dma2 semaphore(%arg12 : memref<!tpu.dma_semaphore, #tpu.memory_space<semaphore_mem>>) src(%dma_wait3A_348 : memref<128x128xf32, #tpu.memory_space<vmem>>) dst(%dma_wait3A_344 : memref<128x128xf32, #tpu.memory_space<hbm>>)
        } else {
        }
        %dma_start3A_321 = arith.constant 0 : i32
        %dma_start3A_322 = arith.constant 0 : i32
        %dma_start3A_323 = arith.constant 0 : i32
        %dma_start3A_324 = tpu.memref_slice %arg6[%dma_start3A_321, %dma_start3A_322, %dma_start3A_323] : memref<5x128x128xf32, #tpu.memory_space<vmem>> -> memref<1x128x128xf32, #tpu.memory_space<vmem>>
        %dma_start3A_325 = tpu.memref_squeeze %dma_start3A_324 : memref<1x128x128xf32, #tpu.memory_space<vmem>> -> memref<128x128xf32, #tpu.memory_space<vmem>>
        %dma_start3A_326 = arith.constant 0 : i32
        %dma_start3A_327 = tpu.memref_slice %arg5[%add3A_231, %dma_start3A_326] : memref<200x128xi32, #tpu.memory_space<vmem>> -> memref<1x128xi32, #tpu.memory_space<vmem>>
        %dma_start3A_328 = tpu.memref_squeeze %dma_start3A_327 : memref<1x128xi32, #tpu.memory_space<vmem>> -> memref<128xi32, #tpu.memory_space<vmem>>
        %dma_start3A_329 = arith.constant 0 : i32
        %dma_start3A_330 = arith.constant 0 : i32
        %dma_start3A_331 = tpu.memref_slice %arg3[%dma_start3A_329, %dma_start3A_330] : memref<100000x128xf32, #tpu.memory_space<hbm>> -> memref<100000x128xf32, #tpu.memory_space<hbm>>
        tpu.enqueue_indirect_dma source(%dma_start3A_331 : memref<100000x128xf32, #tpu.memory_space<hbm>>) target(%dma_start3A_325 : memref<128x128xf32, #tpu.memory_space<vmem>>) offsets(%dma_start3A_328 : memref<128xi32, #tpu.memory_space<vmem>>) semaphore(%arg7 : memref<!tpu.dma_semaphore, #tpu.memory_space<semaphore_mem>>)
      } else {
      }
      %add3A_237 = arith.constant 3 : i32
      %add3A_238 = arith.addi %mul3A_119, %add3A_237 : i32
      %dma_wait3A_239 = arith.constant 3 : i32
      %dma_wait3A_240 = arith.constant 0 : i32
      %dma_wait3A_241 = arith.constant 0 : i32
      %dma_wait3A_242 = tpu.memref_slice %arg6[%dma_wait3A_239, %dma_wait3A_240, %dma_wait3A_241] : memref<5x128x128xf32, #tpu.memory_space<vmem>> -> memref<1x128x128xf32, #tpu.memory_space<vmem>>
      %dma_wait3A_243 = tpu.memref_squeeze %dma_wait3A_242 : memref<1x128x128xf32, #tpu.memory_space<vmem>> -> memref<128x128xf32, #tpu.memory_space<vmem>>
      %dma_wait3A_244 = arith.constant 0 : i32
      %dma_wait3A_245 = arith.constant 0 : i32
      %dma_wait3A_246 = tpu.memref_slice %arg3[%dma_wait3A_244, %dma_wait3A_245] : memref<100000x128xf32, #tpu.memory_space<hbm>> -> memref<128x128xf32, #tpu.memory_space<hbm>>
      %dma_wait3A_247 = arith.constant 0 : i32
      %dma_wait3A_248 = arith.constant 0 : i32
      %dma_wait3A_249 = tpu.memref_slice %arg6[%dma_wait3A_239, %dma_wait3A_247, %dma_wait3A_248] : memref<5x128x128xf32, #tpu.memory_space<vmem>> -> memref<1x128x128xf32, #tpu.memory_space<vmem>>
      %dma_wait3A_250 = tpu.memref_squeeze %dma_wait3A_249 : memref<1x128x128xf32, #tpu.memory_space<vmem>> -> memref<128x128xf32, #tpu.memory_space<vmem>>
      %dma_wait3A_251 = arith.constant 0 : i32
      %dma_wait3A_252 = arith.constant 0 : i32
      %dma_wait3A_253 = tpu.memref_slice %arg3[%dma_wait3A_251, %dma_wait3A_252] : memref<100000x128xf32, #tpu.memory_space<hbm>> -> memref<128x128xf32, #tpu.memory_space<hbm>>
      tpu.wait_dma2 semaphore(%arg10 : memref<!tpu.dma_semaphore, #tpu.memory_space<semaphore_mem>>) src(%dma_wait3A_253 : memref<128x128xf32, #tpu.memory_space<hbm>>) dst(%dma_wait3A_250 : memref<128x128xf32, #tpu.memory_space<vmem>>)
      %mul3A_254 = arith.constant 128 : i32
      %mul3A_255 = arith.muli %add3A_238, %mul3A_254 : i32
      %add3A_256 = arith.addi %mul3A_2, %mul3A_255 : i32
      %dma_start3A_257 = arith.constant 3 : i32
      %dma_start3A_258 = arith.constant 0 : i32
      %dma_start3A_259 = arith.constant 0 : i32
      %dma_start3A_260 = tpu.memref_slice %arg6[%dma_start3A_257, %dma_start3A_258, %dma_start3A_259] : memref<5x128x128xf32, #tpu.memory_space<vmem>> -> memref<1x128x128xf32, #tpu.memory_space<vmem>>
      %dma_start3A_261 = tpu.memref_squeeze %dma_start3A_260 : memref<1x128x128xf32, #tpu.memory_space<vmem>> -> memref<128x128xf32, #tpu.memory_space<vmem>>
      %dma_start3A_262 = arith.constant 0 : i32
      %dma_start3A_263 = tpu.memref_slice %arg4[%add3A_256, %dma_start3A_262] : memref<819200x128xf32, #tpu.memory_space<hbm>> -> memref<128x128xf32, #tpu.memory_space<hbm>>
      %dma_start3A_264 = arith.constant 0 : i32
      %dma_start3A_265 = tpu.memref_slice %arg4[%add3A_256, %dma_start3A_264] : memref<819200x128xf32, #tpu.memory_space<hbm>> -> memref<128x128xf32, #tpu.memory_space<hbm>>
      %dma_start3A_266 = arith.constant 0 : i32
      %dma_start3A_267 = arith.constant 0 : i32
      %dma_start3A_268 = tpu.memref_slice %arg6[%dma_start3A_257, %dma_start3A_266, %dma_start3A_267] : memref<5x128x128xf32, #tpu.memory_space<vmem>> -> memref<1x128x128xf32, #tpu.memory_space<vmem>>
      %dma_start3A_269 = tpu.memref_squeeze %dma_start3A_268 : memref<1x128x128xf32, #tpu.memory_space<vmem>> -> memref<128x128xf32, #tpu.memory_space<vmem>>
      tpu.enqueue_dma source(%dma_start3A_269 : memref<128x128xf32, #tpu.memory_space<vmem>>) target(%dma_start3A_265 : memref<128x128xf32, #tpu.memory_space<hbm>>) target_semaphore(%arg15 : memref<!tpu.dma_semaphore, #tpu.memory_space<semaphore_mem>>)
      %add3A_270 = arith.constant 3 : i32
      %add3A_271 = arith.addi %add3A_238, %add3A_270 : i32
      %lt3A_272 = arith.constant 200 : i32
      %lt3A_273 = arith.cmpi slt, %add3A_271, %lt3A_272 : i32
      %convert_element_type3A_274 = arith.extui %lt3A_273 : i1 to i32
      %cond3A_275 = arith.constant 0 : i32
      %cond3A_276 = arith.cmpi ne, %convert_element_type3A_274, %cond3A_275 : i32
      scf.if %cond3A_276 {
        %ge3A = arith.constant 5 : i32
        %ge3A_317 = arith.cmpi sge, %add3A_271, %ge3A : i32
        %convert_element_type3A_318 = arith.extui %ge3A_317 : i1 to i32
        %cond3A_319 = arith.constant 0 : i32
        %cond3A_320 = arith.cmpi ne, %convert_element_type3A_318, %cond3A_319 : i32
        scf.if %cond3A_320 {
          %sub3A = arith.constant 5 : i32
          %sub3A_332 = arith.subi %add3A_271, %sub3A : i32
          %mul3A_333 = arith.constant 128 : i32
          %mul3A_334 = arith.muli %sub3A_332, %mul3A_333 : i32
          %add3A_335 = arith.addi %mul3A_2, %mul3A_334 : i32
          %dma_wait3A_336 = arith.constant 1 : i32
          %dma_wait3A_337 = arith.constant 0 : i32
          %dma_wait3A_338 = arith.constant 0 : i32
          %dma_wait3A_339 = tpu.memref_slice %arg6[%dma_wait3A_336, %dma_wait3A_337, %dma_wait3A_338] : memref<5x128x128xf32, #tpu.memory_space<vmem>> -> memref<1x128x128xf32, #tpu.memory_space<vmem>>
          %dma_wait3A_340 = tpu.memref_squeeze %dma_wait3A_339 : memref<1x128x128xf32, #tpu.memory_space<vmem>> -> memref<128x128xf32, #tpu.memory_space<vmem>>
          %dma_wait3A_341 = arith.constant 0 : i32
          %dma_wait3A_342 = tpu.memref_slice %arg4[%add3A_335, %dma_wait3A_341] : memref<819200x128xf32, #tpu.memory_space<hbm>> -> memref<128x128xf32, #tpu.memory_space<hbm>>
          %dma_wait3A_343 = arith.constant 0 : i32
          %dma_wait3A_344 = tpu.memref_slice %arg4[%add3A_335, %dma_wait3A_343] : memref<819200x128xf32, #tpu.memory_space<hbm>> -> memref<128x128xf32, #tpu.memory_space<hbm>>
          %dma_wait3A_345 = arith.constant 0 : i32
          %dma_wait3A_346 = arith.constant 0 : i32
          %dma_wait3A_347 = tpu.memref_slice %arg6[%dma_wait3A_336, %dma_wait3A_345, %dma_wait3A_346] : memref<5x128x128xf32, #tpu.memory_space<vmem>> -> memref<1x128x128xf32, #tpu.memory_space<vmem>>
          %dma_wait3A_348 = tpu.memref_squeeze %dma_wait3A_347 : memref<1x128x128xf32, #tpu.memory_space<vmem>> -> memref<128x128xf32, #tpu.memory_space<vmem>>
          tpu.wait_dma2 semaphore(%arg13 : memref<!tpu.dma_semaphore, #tpu.memory_space<semaphore_mem>>) src(%dma_wait3A_348 : memref<128x128xf32, #tpu.memory_space<vmem>>) dst(%dma_wait3A_344 : memref<128x128xf32, #tpu.memory_space<hbm>>)
        } else {
        }
        %dma_start3A_321 = arith.constant 1 : i32
        %dma_start3A_322 = arith.constant 0 : i32
        %dma_start3A_323 = arith.constant 0 : i32
        %dma_start3A_324 = tpu.memref_slice %arg6[%dma_start3A_321, %dma_start3A_322, %dma_start3A_323] : memref<5x128x128xf32, #tpu.memory_space<vmem>> -> memref<1x128x128xf32, #tpu.memory_space<vmem>>
        %dma_start3A_325 = tpu.memref_squeeze %dma_start3A_324 : memref<1x128x128xf32, #tpu.memory_space<vmem>> -> memref<128x128xf32, #tpu.memory_space<vmem>>
        %dma_start3A_326 = arith.constant 0 : i32
        %dma_start3A_327 = tpu.memref_slice %arg5[%add3A_271, %dma_start3A_326] : memref<200x128xi32, #tpu.memory_space<vmem>> -> memref<1x128xi32, #tpu.memory_space<vmem>>
        %dma_start3A_328 = tpu.memref_squeeze %dma_start3A_327 : memref<1x128xi32, #tpu.memory_space<vmem>> -> memref<128xi32, #tpu.memory_space<vmem>>
        %dma_start3A_329 = arith.constant 0 : i32
        %dma_start3A_330 = arith.constant 0 : i32
        %dma_start3A_331 = tpu.memref_slice %arg3[%dma_start3A_329, %dma_start3A_330] : memref<100000x128xf32, #tpu.memory_space<hbm>> -> memref<100000x128xf32, #tpu.memory_space<hbm>>
        tpu.enqueue_indirect_dma source(%dma_start3A_331 : memref<100000x128xf32, #tpu.memory_space<hbm>>) target(%dma_start3A_325 : memref<128x128xf32, #tpu.memory_space<vmem>>) offsets(%dma_start3A_328 : memref<128xi32, #tpu.memory_space<vmem>>) semaphore(%arg8 : memref<!tpu.dma_semaphore, #tpu.memory_space<semaphore_mem>>)
      } else {
      }
      %add3A_277 = arith.constant 4 : i32
      %add3A_278 = arith.addi %mul3A_119, %add3A_277 : i32
      %dma_wait3A_279 = arith.constant 4 : i32
      %dma_wait3A_280 = arith.constant 0 : i32
      %dma_wait3A_281 = arith.constant 0 : i32
      %dma_wait3A_282 = tpu.memref_slice %arg6[%dma_wait3A_279, %dma_wait3A_280, %dma_wait3A_281] : memref<5x128x128xf32, #tpu.memory_space<vmem>> -> memref<1x128x128xf32, #tpu.memory_space<vmem>>
      %dma_wait3A_283 = tpu.memref_squeeze %dma_wait3A_282 : memref<1x128x128xf32, #tpu.memory_space<vmem>> -> memref<128x128xf32, #tpu.memory_space<vmem>>
      %dma_wait3A_284 = arith.constant 0 : i32
      %dma_wait3A_285 = arith.constant 0 : i32
      %dma_wait3A_286 = tpu.memref_slice %arg3[%dma_wait3A_284, %dma_wait3A_285] : memref<100000x128xf32, #tpu.memory_space<hbm>> -> memref<128x128xf32, #tpu.memory_space<hbm>>
      %dma_wait3A_287 = arith.constant 0 : i32
      %dma_wait3A_288 = arith.constant 0 : i32
      %dma_wait3A_289 = tpu.memref_slice %arg6[%dma_wait3A_279, %dma_wait3A_287, %dma_wait3A_288] : memref<5x128x128xf32, #tpu.memory_space<vmem>> -> memref<1x128x128xf32, #tpu.memory_space<vmem>>
      %dma_wait3A_290 = tpu.memref_squeeze %dma_wait3A_289 : memref<1x128x128xf32, #tpu.memory_space<vmem>> -> memref<128x128xf32, #tpu.memory_space<vmem>>
      %dma_wait3A_291 = arith.constant 0 : i32
      %dma_wait3A_292 = arith.constant 0 : i32
      %dma_wait3A_293 = tpu.memref_slice %arg3[%dma_wait3A_291, %dma_wait3A_292] : memref<100000x128xf32, #tpu.memory_space<hbm>> -> memref<128x128xf32, #tpu.memory_space<hbm>>
      tpu.wait_dma2 semaphore(%arg11 : memref<!tpu.dma_semaphore, #tpu.memory_space<semaphore_mem>>) src(%dma_wait3A_293 : memref<128x128xf32, #tpu.memory_space<hbm>>) dst(%dma_wait3A_290 : memref<128x128xf32, #tpu.memory_space<vmem>>)
      %mul3A_294 = arith.constant 128 : i32
      %mul3A_295 = arith.muli %add3A_278, %mul3A_294 : i32
      %add3A_296 = arith.addi %mul3A_2, %mul3A_295 : i32
      %dma_start3A_297 = arith.constant 4 : i32
      %dma_start3A_298 = arith.constant 0 : i32
      %dma_start3A_299 = arith.constant 0 : i32
      %dma_start3A_300 = tpu.memref_slice %arg6[%dma_start3A_297, %dma_start3A_298, %dma_start3A_299] : memref<5x128x128xf32, #tpu.memory_space<vmem>> -> memref<1x128x128xf32, #tpu.memory_space<vmem>>
      %dma_start3A_301 = tpu.memref_squeeze %dma_start3A_300 : memref<1x128x128xf32, #tpu.memory_space<vmem>> -> memref<128x128xf32, #tpu.memory_space<vmem>>
      %dma_start3A_302 = arith.constant 0 : i32
      %dma_start3A_303 = tpu.memref_slice %arg4[%add3A_296, %dma_start3A_302] : memref<819200x128xf32, #tpu.memory_space<hbm>> -> memref<128x128xf32, #tpu.memory_space<hbm>>
      %dma_start3A_304 = arith.constant 0 : i32
      %dma_start3A_305 = tpu.memref_slice %arg4[%add3A_296, %dma_start3A_304] : memref<819200x128xf32, #tpu.memory_space<hbm>> -> memref<128x128xf32, #tpu.memory_space<hbm>>
      %dma_start3A_306 = arith.constant 0 : i32
      %dma_start3A_307 = arith.constant 0 : i32
      %dma_start3A_308 = tpu.memref_slice %arg6[%dma_start3A_297, %dma_start3A_306, %dma_start3A_307] : memref<5x128x128xf32, #tpu.memory_space<vmem>> -> memref<1x128x128xf32, #tpu.memory_space<vmem>>
      %dma_start3A_309 = tpu.memref_squeeze %dma_start3A_308 : memref<1x128x128xf32, #tpu.memory_space<vmem>> -> memref<128x128xf32, #tpu.memory_space<vmem>>
      tpu.enqueue_dma source(%dma_start3A_309 : memref<128x128xf32, #tpu.memory_space<vmem>>) target(%dma_start3A_305 : memref<128x128xf32, #tpu.memory_space<hbm>>) target_semaphore(%arg16 : memref<!tpu.dma_semaphore, #tpu.memory_space<semaphore_mem>>)
      %add3A_310 = arith.constant 3 : i32
      %add3A_311 = arith.addi %add3A_278, %add3A_310 : i32
      %lt3A_312 = arith.constant 200 : i32
      %lt3A_313 = arith.cmpi slt, %add3A_311, %lt3A_312 : i32
      %convert_element_type3A_314 = arith.extui %lt3A_313 : i1 to i32
      %cond3A_315 = arith.constant 0 : i32
      %cond3A_316 = arith.cmpi ne, %convert_element_type3A_314, %cond3A_315 : i32
      scf.if %cond3A_316 {
        %ge3A = arith.constant 5 : i32
        %ge3A_317 = arith.cmpi sge, %add3A_311, %ge3A : i32
        %convert_element_type3A_318 = arith.extui %ge3A_317 : i1 to i32
        %cond3A_319 = arith.constant 0 : i32
        %cond3A_320 = arith.cmpi ne, %convert_element_type3A_318, %cond3A_319 : i32
        scf.if %cond3A_320 {
          %sub3A = arith.constant 5 : i32
          %sub3A_332 = arith.subi %add3A_311, %sub3A : i32
          %mul3A_333 = arith.constant 128 : i32
          %mul3A_334 = arith.muli %sub3A_332, %mul3A_333 : i32
          %add3A_335 = arith.addi %mul3A_2, %mul3A_334 : i32
          %dma_wait3A_336 = arith.constant 2 : i32
          %dma_wait3A_337 = arith.constant 0 : i32
          %dma_wait3A_338 = arith.constant 0 : i32
          %dma_wait3A_339 = tpu.memref_slice %arg6[%dma_wait3A_336, %dma_wait3A_337, %dma_wait3A_338] : memref<5x128x128xf32, #tpu.memory_space<vmem>> -> memref<1x128x128xf32, #tpu.memory_space<vmem>>
          %dma_wait3A_340 = tpu.memref_squeeze %dma_wait3A_339 : memref<1x128x128xf32, #tpu.memory_space<vmem>> -> memref<128x128xf32, #tpu.memory_space<vmem>>
          %dma_wait3A_341 = arith.constant 0 : i32
          %dma_wait3A_342 = tpu.memref_slice %arg4[%add3A_335, %dma_wait3A_341] : memref<819200x128xf32, #tpu.memory_space<hbm>> -> memref<128x128xf32, #tpu.memory_space<hbm>>
          %dma_wait3A_343 = arith.constant 0 : i32
          %dma_wait3A_344 = tpu.memref_slice %arg4[%add3A_335, %dma_wait3A_343] : memref<819200x128xf32, #tpu.memory_space<hbm>> -> memref<128x128xf32, #tpu.memory_space<hbm>>
          %dma_wait3A_345 = arith.constant 0 : i32
          %dma_wait3A_346 = arith.constant 0 : i32
          %dma_wait3A_347 = tpu.memref_slice %arg6[%dma_wait3A_336, %dma_wait3A_345, %dma_wait3A_346] : memref<5x128x128xf32, #tpu.memory_space<vmem>> -> memref<1x128x128xf32, #tpu.memory_space<vmem>>
          %dma_wait3A_348 = tpu.memref_squeeze %dma_wait3A_347 : memref<1x128x128xf32, #tpu.memory_space<vmem>> -> memref<128x128xf32, #tpu.memory_space<vmem>>
          tpu.wait_dma2 semaphore(%arg14 : memref<!tpu.dma_semaphore, #tpu.memory_space<semaphore_mem>>) src(%dma_wait3A_348 : memref<128x128xf32, #tpu.memory_space<vmem>>) dst(%dma_wait3A_344 : memref<128x128xf32, #tpu.memory_space<hbm>>)
        } else {
        }
        %dma_start3A_321 = arith.constant 2 : i32
        %dma_start3A_322 = arith.constant 0 : i32
        %dma_start3A_323 = arith.constant 0 : i32
        %dma_start3A_324 = tpu.memref_slice %arg6[%dma_start3A_321, %dma_start3A_322, %dma_start3A_323] : memref<5x128x128xf32, #tpu.memory_space<vmem>> -> memref<1x128x128xf32, #tpu.memory_space<vmem>>
        %dma_start3A_325 = tpu.memref_squeeze %dma_start3A_324 : memref<1x128x128xf32, #tpu.memory_space<vmem>> -> memref<128x128xf32, #tpu.memory_space<vmem>>
        %dma_start3A_326 = arith.constant 0 : i32
        %dma_start3A_327 = tpu.memref_slice %arg5[%add3A_311, %dma_start3A_326] : memref<200x128xi32, #tpu.memory_space<vmem>> -> memref<1x128xi32, #tpu.memory_space<vmem>>
        %dma_start3A_328 = tpu.memref_squeeze %dma_start3A_327 : memref<1x128xi32, #tpu.memory_space<vmem>> -> memref<128xi32, #tpu.memory_space<vmem>>
        %dma_start3A_329 = arith.constant 0 : i32
        %dma_start3A_330 = arith.constant 0 : i32
        %dma_start3A_331 = tpu.memref_slice %arg3[%dma_start3A_329, %dma_start3A_330] : memref<100000x128xf32, #tpu.memory_space<hbm>> -> memref<100000x128xf32, #tpu.memory_space<hbm>>
        tpu.enqueue_indirect_dma source(%dma_start3A_331 : memref<100000x128xf32, #tpu.memory_space<hbm>>) target(%dma_start3A_325 : memref<128x128xf32, #tpu.memory_space<vmem>>) offsets(%dma_start3A_328 : memref<128xi32, #tpu.memory_space<vmem>>) semaphore(%arg9 : memref<!tpu.dma_semaphore, #tpu.memory_space<semaphore_mem>>)
      } else {
      }
    }
    %scan3A_42 = arith.constant 40 : i32
    %add3A_43 = arith.constant 24960 : i32
    %add3A_44 = arith.addi %mul3A_2, %add3A_43 : i32
    %dma_wait3A = arith.constant 0 : i32
    %dma_wait3A_45 = arith.constant 0 : i32
    %dma_wait3A_46 = arith.constant 0 : i32
    %dma_wait3A_47 = tpu.memref_slice %arg6[%dma_wait3A, %dma_wait3A_45, %dma_wait3A_46] : memref<5x128x128xf32, #tpu.memory_space<vmem>> -> memref<1x128x128xf32, #tpu.memory_space<vmem>>
    %dma_wait3A_48 = tpu.memref_squeeze %dma_wait3A_47 : memref<1x128x128xf32, #tpu.memory_space<vmem>> -> memref<128x128xf32, #tpu.memory_space<vmem>>
    %dma_wait3A_49 = arith.constant 0 : i32
    %dma_wait3A_50 = tpu.memref_slice %arg4[%add3A_44, %dma_wait3A_49] : memref<819200x128xf32, #tpu.memory_space<hbm>> -> memref<128x128xf32, #tpu.memory_space<hbm>>
    %dma_wait3A_51 = arith.constant 0 : i32
    %dma_wait3A_52 = tpu.memref_slice %arg4[%add3A_44, %dma_wait3A_51] : memref<819200x128xf32, #tpu.memory_space<hbm>> -> memref<128x128xf32, #tpu.memory_space<hbm>>
    %dma_wait3A_53 = arith.constant 0 : i32
    %dma_wait3A_54 = arith.constant 0 : i32
    %dma_wait3A_55 = tpu.memref_slice %arg6[%dma_wait3A, %dma_wait3A_53, %dma_wait3A_54] : memref<5x128x128xf32, #tpu.memory_space<vmem>> -> memref<1x128x128xf32, #tpu.memory_space<vmem>>
    %dma_wait3A_56 = tpu.memref_squeeze %dma_wait3A_55 : memref<1x128x128xf32, #tpu.memory_space<vmem>> -> memref<128x128xf32, #tpu.memory_space<vmem>>
    tpu.wait_dma2 semaphore(%arg12 : memref<!tpu.dma_semaphore, #tpu.memory_space<semaphore_mem>>) src(%dma_wait3A_56 : memref<128x128xf32, #tpu.memory_space<vmem>>) dst(%dma_wait3A_52 : memref<128x128xf32, #tpu.memory_space<hbm>>)
    %add3A_57 = arith.constant 25088 : i32
    %add3A_58 = arith.addi %mul3A_2, %add3A_57 : i32
    %dma_wait3A_59 = arith.constant 1 : i32
    %dma_wait3A_60 = arith.constant 0 : i32
    %dma_wait3A_61 = arith.constant 0 : i32
    %dma_wait3A_62 = tpu.memref_slice %arg6[%dma_wait3A_59, %dma_wait3A_60, %dma_wait3A_61] : memref<5x128x128xf32, #tpu.memory_space<vmem>> -> memref<1x128x128xf32, #tpu.memory_space<vmem>>
    %dma_wait3A_63 = tpu.memref_squeeze %dma_wait3A_62 : memref<1x128x128xf32, #tpu.memory_space<vmem>> -> memref<128x128xf32, #tpu.memory_space<vmem>>
    %dma_wait3A_64 = arith.constant 0 : i32
    %dma_wait3A_65 = tpu.memref_slice %arg4[%add3A_58, %dma_wait3A_64] : memref<819200x128xf32, #tpu.memory_space<hbm>> -> memref<128x128xf32, #tpu.memory_space<hbm>>
    %dma_wait3A_66 = arith.constant 0 : i32
    %dma_wait3A_67 = tpu.memref_slice %arg4[%add3A_58, %dma_wait3A_66] : memref<819200x128xf32, #tpu.memory_space<hbm>> -> memref<128x128xf32, #tpu.memory_space<hbm>>
    %dma_wait3A_68 = arith.constant 0 : i32
    %dma_wait3A_69 = arith.constant 0 : i32
    %dma_wait3A_70 = tpu.memref_slice %arg6[%dma_wait3A_59, %dma_wait3A_68, %dma_wait3A_69] : memref<5x128x128xf32, #tpu.memory_space<vmem>> -> memref<1x128x128xf32, #tpu.memory_space<vmem>>
    %dma_wait3A_71 = tpu.memref_squeeze %dma_wait3A_70 : memref<1x128x128xf32, #tpu.memory_space<vmem>> -> memref<128x128xf32, #tpu.memory_space<vmem>>
    tpu.wait_dma2 semaphore(%arg13 : memref<!tpu.dma_semaphore, #tpu.memory_space<semaphore_mem>>) src(%dma_wait3A_71 : memref<128x128xf32, #tpu.memory_space<vmem>>) dst(%dma_wait3A_67 : memref<128x128xf32, #tpu.memory_space<hbm>>)
    %add3A_72 = arith.constant 25216 : i32
    %add3A_73 = arith.addi %mul3A_2, %add3A_72 : i32
    %dma_wait3A_74 = arith.constant 2 : i32
    %dma_wait3A_75 = arith.constant 0 : i32
    %dma_wait3A_76 = arith.constant 0 : i32
    %dma_wait3A_77 = tpu.memref_slice %arg6[%dma_wait3A_74, %dma_wait3A_75, %dma_wait3A_76] : memref<5x128x128xf32, #tpu.memory_space<vmem>> -> memref<1x128x128xf32, #tpu.memory_space<vmem>>
    %dma_wait3A_78 = tpu.memref_squeeze %dma_wait3A_77 : memref<1x128x128xf32, #tpu.memory_space<vmem>> -> memref<128x128xf32, #tpu.memory_space<vmem>>
    %dma_wait3A_79 = arith.constant 0 : i32
    %dma_wait3A_80 = tpu.memref_slice %arg4[%add3A_73, %dma_wait3A_79] : memref<819200x128xf32, #tpu.memory_space<hbm>> -> memref<128x128xf32, #tpu.memory_space<hbm>>
    %dma_wait3A_81 = arith.constant 0 : i32
    %dma_wait3A_82 = tpu.memref_slice %arg4[%add3A_73, %dma_wait3A_81] : memref<819200x128xf32, #tpu.memory_space<hbm>> -> memref<128x128xf32, #tpu.memory_space<hbm>>
    %dma_wait3A_83 = arith.constant 0 : i32
    %dma_wait3A_84 = arith.constant 0 : i32
    %dma_wait3A_85 = tpu.memref_slice %arg6[%dma_wait3A_74, %dma_wait3A_83, %dma_wait3A_84] : memref<5x128x128xf32, #tpu.memory_space<vmem>> -> memref<1x128x128xf32, #tpu.memory_space<vmem>>
    %dma_wait3A_86 = tpu.memref_squeeze %dma_wait3A_85 : memref<1x128x128xf32, #tpu.memory_space<vmem>> -> memref<128x128xf32, #tpu.memory_space<vmem>>
    tpu.wait_dma2 semaphore(%arg14 : memref<!tpu.dma_semaphore, #tpu.memory_space<semaphore_mem>>) src(%dma_wait3A_86 : memref<128x128xf32, #tpu.memory_space<vmem>>) dst(%dma_wait3A_82 : memref<128x128xf32, #tpu.memory_space<hbm>>)
    %add3A_87 = arith.constant 25344 : i32
    %add3A_88 = arith.addi %mul3A_2, %add3A_87 : i32
    %dma_wait3A_89 = arith.constant 3 : i32
    %dma_wait3A_90 = arith.constant 0 : i32
    %dma_wait3A_91 = arith.constant 0 : i32
    %dma_wait3A_92 = tpu.memref_slice %arg6[%dma_wait3A_89, %dma_wait3A_90, %dma_wait3A_91] : memref<5x128x128xf32, #tpu.memory_space<vmem>> -> memref<1x128x128xf32, #tpu.memory_space<vmem>>
    %dma_wait3A_93 = tpu.memref_squeeze %dma_wait3A_92 : memref<1x128x128xf32, #tpu.memory_space<vmem>> -> memref<128x128xf32, #tpu.memory_space<vmem>>
    %dma_wait3A_94 = arith.constant 0 : i32
    %dma_wait3A_95 = tpu.memref_slice %arg4[%add3A_88, %dma_wait3A_94] : memref<819200x128xf32, #tpu.memory_space<hbm>> -> memref<128x128xf32, #tpu.memory_space<hbm>>
    %dma_wait3A_96 = arith.constant 0 : i32
    %dma_wait3A_97 = tpu.memref_slice %arg4[%add3A_88, %dma_wait3A_96] : memref<819200x128xf32, #tpu.memory_space<hbm>> -> memref<128x128xf32, #tpu.memory_space<hbm>>
    %dma_wait3A_98 = arith.constant 0 : i32
    %dma_wait3A_99 = arith.constant 0 : i32
    %dma_wait3A_100 = tpu.memref_slice %arg6[%dma_wait3A_89, %dma_wait3A_98, %dma_wait3A_99] : memref<5x128x128xf32, #tpu.memory_space<vmem>> -> memref<1x128x128xf32, #tpu.memory_space<vmem>>
    %dma_wait3A_101 = tpu.memref_squeeze %dma_wait3A_100 : memref<1x128x128xf32, #tpu.memory_space<vmem>> -> memref<128x128xf32, #tpu.memory_space<vmem>>
    tpu.wait_dma2 semaphore(%arg15 : memref<!tpu.dma_semaphore, #tpu.memory_space<semaphore_mem>>) src(%dma_wait3A_101 : memref<128x128xf32, #tpu.memory_space<vmem>>) dst(%dma_wait3A_97 : memref<128x128xf32, #tpu.memory_space<hbm>>)
    %add3A_102 = arith.constant 25472 : i32
    %add3A_103 = arith.addi %mul3A_2, %add3A_102 : i32
    %dma_wait3A_104 = arith.constant 4 : i32
    %dma_wait3A_105 = arith.constant 0 : i32
    %dma_wait3A_106 = arith.constant 0 : i32
    %dma_wait3A_107 = tpu.memref_slice %arg6[%dma_wait3A_104, %dma_wait3A_105, %dma_wait3A_106] : memref<5x128x128xf32, #tpu.memory_space<vmem>> -> memref<1x128x128xf32, #tpu.memory_space<vmem>>
    %dma_wait3A_108 = tpu.memref_squeeze %dma_wait3A_107 : memref<1x128x128xf32, #tpu.memory_space<vmem>> -> memref<128x128xf32, #tpu.memory_space<vmem>>
    %dma_wait3A_109 = arith.constant 0 : i32
    %dma_wait3A_110 = tpu.memref_slice %arg4[%add3A_103, %dma_wait3A_109] : memref<819200x128xf32, #tpu.memory_space<hbm>> -> memref<128x128xf32, #tpu.memory_space<hbm>>
    %dma_wait3A_111 = arith.constant 0 : i32
    %dma_wait3A_112 = tpu.memref_slice %arg4[%add3A_103, %dma_wait3A_111] : memref<819200x128xf32, #tpu.memory_space<hbm>> -> memref<128x128xf32, #tpu.memory_space<hbm>>
    %dma_wait3A_113 = arith.constant 0 : i32
    %dma_wait3A_114 = arith.constant 0 : i32
    %dma_wait3A_115 = tpu.memref_slice %arg6[%dma_wait3A_104, %dma_wait3A_113, %dma_wait3A_114] : memref<5x128x128xf32, #tpu.memory_space<vmem>> -> memref<1x128x128xf32, #tpu.memory_space<vmem>>
    %dma_wait3A_116 = tpu.memref_squeeze %dma_wait3A_115 : memref<1x128x128xf32, #tpu.memory_space<vmem>> -> memref<128x128xf32, #tpu.memory_space<vmem>>
    tpu.wait_dma2 semaphore(%arg16 : memref<!tpu.dma_semaphore, #tpu.memory_space<semaphore_mem>>) src(%dma_wait3A_116 : memref<128x128xf32, #tpu.memory_space<vmem>>) dst(%dma_wait3A_112 : memref<128x128xf32, #tpu.memory_space<hbm>>)
    return
  }
}

</mosaic_0001>

<sc_bundles>
// kernel: kernel.3.cloned.1.call-start
scs
__scs_entry_jumppad:
0x0: {  	(pc) =	sbr.rel $0x88, $3  }
0x1: {  	(tag) =	ssettag $0x0;
	lr =	simm.s32 $0x1  }
0x2: {  	[smem:$0x3F9F] =	sst lr;
	_ =	strace $0xD0000000  }
0x3: {  	_ = 	snop  }
0x4: {  	_ = 	snop  }
0x5: {  	_ = 	snop  }
0x6: {  	_ = 	snop  }
0x7: {  	_ = 	snop  }
__scs_overlays_trampoline_lowered:
0x8: {  	[smem:$0x3FAE] =	sst s0  }
0x9: {  	[smem:$0x3FAF] =	sst s1  }
0xa: {  	[smem:$0x3FB0] =	sst s2  }
0xb: {  	[smem:$0x3FB1] =	sst s3  }
0xc: {  	[smem:$0x3FB2] =	sst s4  }
0xd: {  	[smem:$0x3FB3] =	sst s5  }
0xe: {  	[smem:$0x3FB4] =	sst s6  }
0xf: {  	[smem:$0x3FB5] =	sst s7  }
0x10: {  	[smem:$0x3FB6] =	sst s8  }
0x11: {  	[smem:$0x3FB7] =	sst s9;
	s0 =	simm.s32 @!p0 $0x0  }
0x12: {  	s1 =	sld [smem:$0x3F9D];
	s0 =	simm.s32 @p0 $0x1  }
0x13: {  	[smem:$0x3FB8] =	sst s0;
	s0 =	simm.s32 @!p1 $0x0  }
0x14: {  	s2 =	sld [smem:$0x3F9C];
	s0 =	simm.s32 @p1 $0x1  }
0x15: {  	[smem:$0x3FB9] =	sst s0;
	s0 =	simm.s32 @!p2 $0x0  }
0x16: {  	s3 =	sld [smem:$0x3FDB];
	s0 =	simm.s32 @p2 $0x1  }
0x17: {  	s4 =	simm.s32 $0x1BF5;
	[smem:$0x3FBB] =	sst s0  }
0x18: {  	s0 =	sld [smem:$0x3F9E];
	_ =	swait.ge [sflag:s4], $0x0  }
0x19: {  	s7 =	sld [smem:$0x3F9F]  }
0x1a: {  	s8 =	sadd.s32 $0xFFFFE003, lr  }
0x1b: {  	s9 =	sadd.s32 $0xFFFFFEF7, lr;
	s5 =	simm.s32 $0xFFFFFFFF;
	p2 =	slt.u32 s8, $0xFFFFF086  }
0x1c: {  	p1 =	slt.u32 s9, $0xF7A;
	s5 =	simm.s32 @!p2 $0x0  }
0x1d: {  	s5 =	simm.s32 @p1 $0x1;
	p0 =	seq.s32 s7, s2  }
0x1e: {  	s7 =	smul.u32 @!p0 $0xF7A, s2;
	p2 =	seq.s32 @!p0 s5, $0x0  }
0x1f: {  	s9 =	smul.u32 $0xF7A, s1;
	s8 =	simm.s32 @!p0 $0x1BF5;
	p2 =	por !p2, p0  }
0x20: {  	[sflag:s8] =	ssyncset.s32 @!p0 $0xFFFFF086;
	s6 =	sadd.s32 @!p0 s3, s7;
	s7 =	simm.s32 @!p0 $0x108  }
0x21: {  	s3 =	sadd.s32 s3, s9;
	s6 =	sadd.s32 @!p0 $0x88, s6;
	s7 =	simm.s32 @p2 $0x1082  }
0x22: {  	[simem:s7], [sflag:s8] =	dma.local @!p0 [hbm:s6], $0xF7A  }
0x23: {  	s9 =	sor.u32 $0xD0000000, s2;
	s6 =	simm.s32 $0x108;
	_ =	swait.ge @!p0 [sflag:s8], $0x0  }
0x24: {  	s3 =	sadd.s32 $0x88, s3;
	s6 =	simm.s32 @!p1 $0x1082;
	[sflag:s4] =	ssyncset.s32 $0xFFFFF086  }
0x25: {  	[simem:s6], [sflag:s4] =	dma.local [hbm:s3], $0xF7A  }
0x26: {  	[smem:$0x3F9F] =	sst s1;
	(tag) =	ssettag s2;
	_ =	strace s9  }
0x27: {  	s1 =	sld [smem:$0x3FAF]  }
0x28: {  	s2 =	sld [smem:$0x3FB0]  }
0x29: {  	s4 =	sld [smem:$0x3FB2]  }
0x2a: {  	p0 =	seq.s32 s5, $0x0;
	s5 =	sld [smem:$0x3FB3]  }
0x2b: {  	s6 =	sld [smem:$0x3FB4]  }
0x2c: {  	s7 =	sld [smem:$0x3FB5]  }
0x2d: {  	s3 =	simm.s32 $0x108;
	s8 =	sld [smem:$0x3FB6]  }
0x2e: {  	s3 =	simm.s32 @!p0 $0x1082;
	s9 =	sld [smem:$0x3FB7]  }
0x2f: {  	lr =	sadd.s32 s0, s3;
	s0 =	sld [smem:$0x3FAE]  }
0x30: {  	s3 =	sld [smem:$0x3FB1]  }
0x31: {  	[smem:$0x3FBA] =	sst s10  }
0x32: {  	s10 =	sld [smem:$0x3FB8];
	_ =	sdelay $0x3  }
0x33: {  	p0 =	seq.s32 s10, $0x1;
	s10 =	sld [smem:$0x3FBA];
	_ =	sdelay $0x3  }
0x34: {  	[smem:$0x3FBA] =	sst s10  }
0x35: {  	s10 =	sld [smem:$0x3FB9];
	_ =	sdelay $0x3  }
0x36: {  	p1 =	seq.s32 s10, $0x1;
	s10 =	sld [smem:$0x3FBA];
	_ =	sdelay $0x3  }
0x37: {  	[smem:$0x3FBA] =	sst s10  }
0x38: {  	s10 =	sld [smem:$0x3FBB]  }
0x39: {  	_ = 	snop;
	(pc) =	sbr.ind lr, $3  }
0x3a: {  	_ = 	snop  }
0x3b: {  	_ = 	snop  }
0x3c: {  	p2 =	seq.s32 s10, $0x1;
	s10 =	sld [smem:$0x3FBA]  }
0x3d: {  	_ =	shalt  }
0x3e: {  	_ =	shalt  }
0x3f: {  	_ =	shalt  }
0x40: {  	_ =	shalt  }
0x41: {  	_ =	shalt  }
0x42: {  	_ =	shalt  }
0x43: {  	_ =	shalt  }
0x44: {  	_ =	shalt  }
0x45: {  	_ =	shalt  }
0x46: {  	_ =	shalt  }
0x47: {  	_ =	shalt  }
0x48: {  	_ =	shalt  }
0x49: {  	_ =	shalt  }
0x4a: {  	_ =	shalt  }
0x4b: {  	_ =	shalt  }
0x4c: {  	_ =	shalt  }
0x4d: {  	_ =	shalt  }
0x4e: {  	_ =	shalt  }
0x4f: {  	_ =	shalt  }
0x50: {  	_ =	shalt  }
0x51: {  	_ =	shalt  }
0x52: {  	_ =	shalt  }
0x53: {  	_ =	shalt  }
0x54: {  	_ =	shalt  }
0x55: {  	_ =	shalt  }
0x56: {  	_ =	shalt  }
0x57: {  	_ =	shalt  }
0x58: {  	_ =	shalt  }
0x59: {  	_ =	shalt  }
0x5a: {  	_ =	shalt  }
0x5b: {  	_ =	shalt  }
0x5c: {  	_ =	shalt  }
0x5d: {  	_ =	shalt  }
0x5e: {  	_ =	shalt  }
0x5f: {  	_ =	shalt  }
0x60: {  	_ =	shalt  }
0x61: {  	_ =	shalt  }
0x62: {  	_ =	shalt  }
0x63: {  	_ =	shalt  }
0x64: {  	_ =	shalt  }
0x65: {  	_ =	shalt  }
0x66: {  	_ =	shalt  }
0x67: {  	_ =	shalt  }
0x68: {  	_ =	shalt  }
0x69: {  	_ =	shalt  }
0x6a: {  	_ =	shalt  }
0x6b: {  	_ =	shalt  }
0x6c: {  	_ =	shalt  }
0x6d: {  	_ =	shalt  }
0x6e: {  	_ =	shalt  }
0x6f: {  	_ =	shalt  }
0x70: {  	_ =	shalt  }
0x71: {  	_ =	shalt  }
0x72: {  	_ =	shalt  }
0x73: {  	_ =	shalt  }
0x74: {  	_ =	shalt  }
0x75: {  	_ =	shalt  }
0x76: {  	_ =	shalt  }
0x77: {  	_ =	shalt  }
0x78: {  	_ =	shalt  }
0x79: {  	_ =	shalt  }
0x7a: {  	_ =	shalt  }
0x7b: {  	_ =	shalt  }
0x7c: {  	_ =	shalt  }
0x7d: {  	_ =	shalt  }
0x7e: {  	_ =	shalt  }
0x7f: {  	_ =	shalt  }
0x80: {  	_ =	shalt  }
0x81: {  	_ =	shalt  }
0x82: {  	_ =	shalt  }
0x83: {  	_ =	shalt  }
0x84: {  	_ =	shalt  }
0x85: {  	_ =	shalt  }
0x86: {  	_ =	shalt  }
0x87: {  	_ =	shalt  }
.Lfunc_end0:
.L_simem_size_0:
called_computation_lowered:
.L_overlay_start_0:
0x88: {  	s2 =	sld [smem:$0x3FD9]  }
0x89: {  	s3 =	sld [smem:$0x3FFE];
	_ =	sdelay $0x1  }
0x8a: {  	s1 =	srdreg.scid  }
0x8b: {  	s0 =	sand.u32 $0x1, s1  }
0x8c: {  	s17 =	sshll.u32 s0, $0xA;
	s2 =	sadd.s32 s3, s2  }
0x8d: {  	s2 =	sadd.s32 s2, s17  }
0x8e: {  	[smem:$0x3FC6] =	sst s2  }
0x8f: {  	_ = 	snop  }
0x90: {  	s2 =	sld [smem:$0x3FC8]  }
0x91: {  	s18 =	sld [smem:$0x3FD0];
	(tm) =	ssettm $0x1  }
0x92: {  	s4 =	sld [smem:$0x3FFB];
	_ =	sdelay $0x3  }
0x93: {  	_ =	strace s4  }
0x94: {  	s4 =	sld [smem:$0x3FFC];
	_ =	sdelay $0x3  }
0x95: {  	_ =	strace s4  }
0x96: {  	s4 =	sld [smem:$0x3FFD];
	_ =	sdelay $0x3  }
0x97: {  	_ =	strace s4  }
0x98: {  	_ =	strace $0x8FFFFFFF  }
0x99: {  	s19 =	sld [smem:$0x3FDB];
	_ =	sdelay $0x1  }
0x9a: {  	s5 =	simm.s32 $_scs_section_size  }
0x9b: {  	s6 =	simm.s32 $_size__tile_overlayer_lowered;
	s7 =	simm.s32 $_tile_overlayer_lowered  }
0x9c: {  	s22 =	simm.s32 $0x1BFF;
	s21 =	sshll.u32 s7, $0x1;
	s4 =	sadd.s32 s5, s19  }
0x9d: {  	s8 =	simm.s32 $0x0;
	s20 =	sshll.u32 s6, $0x1;
	s6 =	sadd.s32 s21, s4  }
0x9e: {  	[timem:s8], [sflag:s22] =	dma.local [hbm:s6], s20  }
0x9f: {  	_ =	swait.ge [sflag:s22], s20  }
0xa0: {  	s5 =	ssub.s32 $0x0, s20;
	[sflag:s22] =	ssyncset.done $0x0  }
0xa1: {  	[sflag:s22] =	ssyncadd.s32 s5;
	_ =	sdelay $0x1  }
0xa2: {  	s23 =	simm.s32 $0x1B8B  }
0xa3: {  	_ =	swait.ge [sflag:s23], $0x1  }
0xa4: {  	[sflag:s23] =	ssyncset.done $0x0  }
0xa5: {  	s25 =	simm.s32 $0x1B8E;
	s24 =	sld [smem:$0x3FFE];
	[sflag:s23] =	ssyncadd.s32 $0xFFFFFFFF  }
0xa6: {  	s26 =	simm.s32 $execute0_lowered;
	[smem:$0x3FD2] =	sst s25  }
0xa7: {  	s6 =	sshll.u32 s26, $0x1;
	_ =	strace $0x80000046;
	[dreg:$0x1] =	wrdreg $0xFFFFFFFF  }
0xa8: {  	s28 =	simm.s32 $_size_execute0_lowered;
	s4 =	sadd.s32 s4, s6;
	[dreg:$0x0] =	wrdreg $0x0  }
0xa9: {  	s6 =	sshll.u32 s28, $0x1;
	[dreg:$0x2] =	wrdreg s4  }
0xaa: {  	[dreg:$0x3] =	wrdreg s6  }
0xab: {  	[dreg:$0x4] =	wrdreg $0xC0  }
0xac: {  	_ =	task [dreg:s8], $0x5FFFF  }
0xad: {  	[dreg:$0x1] =	wrdreg $0xFFFFFFFF  }
0xae: {  	[dreg:$0x0] =	wrdreg $0x60  }
0xaf: {  	[dreg:$0x2] =	wrdreg s24  }
0xb0: {  	[dreg:$0x3] =	wrdreg s2  }
0xb1: {  	[dreg:$0x4] =	wrdreg s18  }
0xb2: {  	[dreg:$0x5] =	wrdreg $0x9  }
0xb3: {  	_ =	task.clear_ibuf [dreg:s8], $0x6FFFF;
	_ =	strace $0x90000046  }
0xb4: {  	s29 =	simm.s32 $0x9;
	_ =	strace $0x80000048  }
0xb5: {  	_ =	swait.ge [sflag:s29], $0x1  }
0xb6: {  	[sflag:s29] =	ssyncadd.s32 $0xFFFFFFFF  }
0xb7: {  	_ =	strace $0x90000048  }
0xb8: {  	_ =	sfence  }
0xb9: {  	s30 =	sld [smem:$0x0];
	_ =	sdelay $0x2  }
0xba: {  	s31 =	sshll.u32 s1, $0xD;
	s1 =	sshrl.u32 s1, $0x2  }
0xbb: {  	s3 =	sand.u32 $0x4000, s31;
	s1 =	sadd.s32 s1, s30  }
0xbc: {  	s0 =	sor.u32 s3, s0;
	s1 =	sshll.u32 s1, $0x11  }
0xbd: {  	s0 =	sor.u32 s1, s0  }
0xbe: {  	s0 =	sadd.s32 $0x8F2B, s0  }
0xbf: {  	[sflag:s0] =	ssyncadd.remote.s32 $0x1  }
0xc0: {  	_ =	sfence.sel $0xFFFF  }
0xc1: {  	[dreg:$0x0] =	wrdreg $0xFFFFFFFF;
	(pc) =	sbr.abs _section_cstart, $3  }
0xc2: {  	[dreg:$0x1] =	wrdreg $0xFFFFFFFF  }
0xc3: {  	_ =	task.clear_ibuf [dreg:s8], $0x2FFFF;
	_ =	strace $0x9FFFFFFF  }
0xc4: {  	(tm) =	ssettm $0x7FFFFFFF  }
0xc5: {  	_ =	shalt  }
tec
execute0_lowered:
.L_overlay_start_1:
0x0: {  	(tag) =	ssettag $0x1  }
0x1: {  	s1 =	rddreg [dreg:$0x0]  }
0x2: {  	s3 =	srdreg.scid;
	s0 =	stileid.u32  }
0x3: {  	s2 =	rddreg [dreg:$0x1];
	s12 =	simm.s32 $0x6400;
	s13 =	simm.s32 $0xA400  }
0x4: {  	s15 =	simm.s32 $0xE400;
	s16 =	simm.s32 $0x1;
	s17 =	simm.s32 $0x12400  }
0x5: {  	s18 =	simm.s32 $0x2;
	s19 =	simm.s32 $0x16400;
	s20 =	simm.s32 $0x3  }
0x6: {  	s21 =	simm.s32 $0x4;
	s22 =	simm.s32 $0x5;
	s23 =	simm.s32 $0x6  }
0x7: {  	s28 =	simm.s32 $0xA;
	s29 =	simm.s32 $0x0;
	s7 =	smul.u32 $0xC8000, s0  }
0x8: {  	s5 =	sand.u32 $0x1, s3;
	s4 =	sshll.u32 s0, $0x1;
	s9 =	smul.u32 $0x640000, s0  }
0x9: {  	s6 =	sor.u32 s5, s4;
	s4 =	simm.s32 $0x0;
	s11 =	smul.u32 $0x320000, s5  }
0xa: {  	s8 =	ssub.s32 $0x2, s5;
	s25 =	smul.u32 $0x64000, s5;
	[smem:$0x7FF] =	sst s4  }
0xb: {  	s6 =	smul.u32 $0x6400, s6;
	s10 =	sshrl.u32 s8, $0x1;
	_ =	strace $0x80000047  }
0xc: {  	s24 =	ssub.s32 s8, s10;
	s30 =	sadd.s32 s11, s9;
	s7 =	sadd.s32 s25, s7  }
.Ltmp0:
0xd: {  	s10 =	simm.s32 $0xB;
	s11 =	simm.s32 $0x80;
	(pc) =	sbr.rel .LBB2_1-.Ltmp0, $4  }
0xe: {  	s25 =	simm.s32 $0x8;
	s6 =	sshrl.u32 s6, $0x3;
	s31 =	sor.u32 $0x10000, s30  }
0xf: {  	s1 =	sadd.s32 s6, s1;
	s6 =	smax.u32 s24, $0x1;
	s8 =	sshrl.u32 s31, $0x3  }
0x10: {  	s24 =	simm.s32 $0x7;
	s26 =	sadd.s32 $0x400, s1;
	s1 =	sor.u32 $0xC000, s30  }
0x11: {  	[dreg:$0x4] =	wrdreg s26;
	s9 =	sshrl.u32 s1, $0x3;
	s26 =	simm.s32 $0x9  }
.LBB2_4:
0x12: {  	_ =	swait.ge [sflag:s23], $0x4000  }
0x13: {  	[sflag:s23] =	ssyncset.done $0x0  }
0x14: {  	[sflag:s23] =	ssyncadd.s32 $0xFFFFC000  }
0x15: {  	_ =	swait.ge [sflag:s24], $0x4000  }
0x16: {  	[sflag:s24] =	ssyncset.done $0x0  }
0x17: {  	[sflag:s24] =	ssyncadd.s32 $0xFFFFC000  }
0x18: {  	_ =	swait.ge [sflag:s25], $0x4000  }
0x19: {  	[sflag:s25] =	ssyncset.done $0x0  }
0x1a: {  	s29 =	sadd.s32 $0x1, s29;
	[sflag:s25] =	ssyncadd.s32 $0xFFFFC000  }
0x1b: {  	p0 =	sne.s32 s29, s6;
	_ =	swait.ge [sflag:s26], $0x4000  }
.Ltmp1:
0x1c: {  	[sflag:s26] =	ssyncset.done $0x0;
	(pc) =	sbr.rel @!p0 .LBB2_5-.Ltmp1, $4  }
0x1d: {  	[sflag:s26] =	ssyncadd.s32 $0xFFFFC000  }
0x1e: {  	_ =	swait.ge [sflag:s28], $0x4000  }
0x1f: {  	[sflag:s28] =	ssyncset.done $0x0  }
0x20: {  	[sflag:s28] =	ssyncadd.s32 $0xFFFFC000  }
.LBB2_1:
0x21: {  	s0 =	rddreg [dreg:$0x4]  }
0x22: {  	[tilespmem:s4], [sflag:$0xB] =	stream.linear.gather [hbm4b:s0+s4], $0x6400, $0x38;
	[tilespmem:$0x1A400] =	vst v63  }
0x23: {  	_ =	swait.ge [sflag:s10], $0x6400  }
0x24: {  	[sflag:s10] =	ssyncset.done $0x0  }
0x25: {  	[sflag:s10] =	ssyncadd.s32 $0xFFFF9C00  }
0x26: {  	[tilespmem:s12], [sflag:$0x1] =	stream.indirect.gather [hbm4b:s2+s11], $0x80, s4, s11, $0xb8;
	[tilespmem:$0x1A400] =	vst v63  }
0x27: {  	_ = 	snop  }
0x28: {  	[tilespmem:s13], [sflag:$0x2] =	stream.indirect.gather [hbm4b:s2+s11], $0x80, s11, s11, $0xb8;
	[tilespmem:$0x1A400] =	vst v63  }
0x29: {  	s14 =	simm.s32 $0x100;
	s31 =	simm.s32 $0x0;
	s30 =	rddreg [dreg:$0x2]  }
0x2a: {  	[tilespmem:s15], [sflag:$0x3] =	stream.indirect.gather [hbm4b:s2+s11], $0x80, s14, s11, $0xb8;
	[tilespmem:$0x1A400] =	vst v63  }
.LBB2_2:
0x2b: {  	_ =	swait.ge [sflag:s16], $0x4000  }
0x2c: {  	p0 =	seq.s32 s31, $0x0;
	[sflag:s16] =	ssyncset.done $0x0  }
0x2d: {  	s0 =	sadd.s32 s30, s7;
	s3 =	simm.s32 @!p0 $0x9;
	[sflag:s16] =	ssyncadd.s32 $0xFFFFC000  }
0x2e: {  	[hbm4b:s0+s4] =	stream.linear.scatter [tilespmem:s12], [sflag:$0x6], $0x4000, $0x38;
	[tilespmem:$0x1A400] =	vst v63  }
0x2f: {  	_ =	swait.ge @!p0 [sflag:s3], $0x4000  }
0x30: {  	s1 =	sshra.s32 s31, $0x2;
	[sflag:s3] =	ssyncset.done @!p0 $0x0  }
0x31: {  	s14 =	sadd.s32 $0x180, s1;
	[sflag:s3] =	ssyncadd.s32 @!p0 $0xFFFFC000  }
0x32: {  	[tilespmem:s17], [sflag:$0x4] =	stream.indirect.gather [hbm4b:s2+s11], $0x80, s14, s11, $0xb8;
	[tilespmem:$0x1A400] =	vst v63  }
0x33: {  	_ =	swait.ge [sflag:s18], $0x4000  }
0x34: {  	[sflag:s18] =	ssyncset.done $0x0  }
0x35: {  	s5 =	sadd.s32 $0x800, s0;
	s3 =	simm.s32 @!p0 $0xA;
	[sflag:s18] =	ssyncadd.s32 $0xFFFFC000  }
0x36: {  	[hbm4b:s5+s4] =	stream.linear.scatter [tilespmem:s13], [sflag:$0x7], $0x4000, $0x38;
	[tilespmem:$0x1A400] =	vst v63  }
0x37: {  	_ =	swait.ge @!p0 [sflag:s3], $0x4000  }
0x38: {  	[sflag:s3] =	ssyncset.done @!p0 $0x0  }
0x39: {  	s14 =	sadd.s32 $0x200, s1;
	[sflag:s3] =	ssyncadd.s32 @!p0 $0xFFFFC000  }
0x3a: {  	[tilespmem:s19], [sflag:$0x5] =	stream.indirect.gather [hbm4b:s2+s11], $0x80, s14, s11, $0xb8;
	[tilespmem:$0x1A400] =	vst v63  }
0x3b: {  	_ =	swait.ge [sflag:s20], $0x4000  }
0x3c: {  	[sflag:s20] =	ssyncset.done $0x0  }
0x3d: {  	s0 =	sadd.s32 $0x1000, s0;
	p0 =	seq.s32 s31, $0x18600;
	[sflag:s20] =	ssyncadd.s32 $0xFFFFC000  }
0x3e: {  	[hbm4b:s0+s4] =	stream.linear.scatter [tilespmem:s15], [sflag:$0x8], $0x4000, $0x38;
	[tilespmem:$0x1A400] =	vst v63  }
0x3f: {  	s0 =	simm.s32 @!p0 $0x6  }
0x40: {  	_ =	swait.ge @!p0 [sflag:s0], $0x4000  }
0x41: {  	[sflag:s0] =	ssyncset.done @!p0 $0x0  }
0x42: {  	[sflag:s0] =	ssyncadd.s32 @!p0 $0xFFFFC000;
	s0 =	sshra.s32 @!p0 s31, $0x2  }
0x43: {  	s14 =	simm.s32 @!p0 $0x80;
	s5 =	simm.s32 @!p0 $0x6400;
	s3 =	sadd.s32 @!p0 $0x280, s0  }
0x44: {  	[tilespmem:s5], [sflag:$0x1] =	stream.indirect.gather @!p0 [hbm4b:s2+s14], $0x80, s3, s14, $0xb8;
	[tilespmem:$0x1A400] =	vst v63  }
0x45: {  	_ =	swait.ge [sflag:s21], $0x4000  }
0x46: {  	[sflag:s21] =	ssyncset.done $0x0  }
0x47: {  	s5 =	sadd.s32 s30, s9;
	s3 =	simm.s32 @!p0 $0x7;
	[sflag:s21] =	ssyncadd.s32 $0xFFFFC000  }
0x48: {  	[hbm4b:s5+s4] =	stream.linear.scatter [tilespmem:s17], [sflag:$0x9], $0x4000, $0x38;
	[tilespmem:$0x1A400] =	vst v63  }
0x49: {  	_ =	swait.ge @!p0 [sflag:s3], $0x4000  }
0x4a: {  	[sflag:s3] =	ssyncset.done @!p0 $0x0  }
0x4b: {  	s0 =	sadd.s32 @!p0 $0x300, s0;
	[sflag:s3] =	ssyncadd.s32 @!p0 $0xFFFFC000;
	s3 =	simm.s32 @!p0 $0xA400  }
0x4c: {  	[tilespmem:s3], [sflag:$0x2] =	stream.indirect.gather @!p0 [hbm4b:s2+s14], $0x80, s0, s14, $0xb8;
	[tilespmem:$0x1A400] =	vst v63  }
.Ltmp2:
0x4d: {  	_ = 	snop;
	(pc) =	sbr.rel @p0 .LBB2_4-.Ltmp2, $4  }
0x4e: {  	_ =	swait.ge [sflag:s22], $0x4000  }
0x4f: {  	[sflag:s22] =	ssyncset.done $0x0  }
0x50: {  	s14 =	sadd.s32 s30, s8;
	[sflag:s22] =	ssyncadd.s32 $0xFFFFC000  }
0x51: {  	[hbm4b:s14+s4] =	stream.linear.scatter [tilespmem:s19], [sflag:$0xA], $0x4000, $0x38;
	[tilespmem:$0x1A400] =	vst v63  }
.Ltmp3:
0x52: {  	(pc) =	sbr.rel .LBB2_2-.Ltmp3, $4  }
0x53: {  	_ =	swait.ge [sflag:s25], $0x4000  }
0x54: {  	s0 =	sadd.s32 $0x380, s1;
	[sflag:s25] =	ssyncset.done $0x0  }
0x55: {  	s31 =	sadd.s32 $0xA00, s31;
	s30 =	sadd.s32 $0x2800, s30;
	[sflag:s25] =	ssyncadd.s32 $0xFFFFC000  }
0x56: {  	[tilespmem:s15], [sflag:$0x3] =	stream.indirect.gather [hbm4b:s2+s11], $0x80, s0, s11, $0xb8;
	[tilespmem:$0x1A400] =	vst v63  }
.LBB2_5:
0x57: {  	_ =	sfence.sel $0x180000  }
0x58: {  	[bflag:$0x0] =	sbarrier.arrive $0xFFFF  }
0x59: {  	_ =	strace $0x90000047  }
0x5a: {  	s0 =	stileid.u32;
	[bflag:$0x2] =	sbarrier.arrive $0xFFFF  }
0x5b: {  	p0 =	sne.s32 s0, $0x0;
	s0 =	rddreg [dreg:$0x3]  }
0x5c: {  	s0 =	sadd.s32 @!p0 $0x100000, s0  }
0x5d: {  	[sflag:s0] =	ssyncadd.tile.s32 @!p0 $0x1;
	_ =	shalt  }
.Lfunc_end2:
_tile_overlayer_lowered:
.L_overlay_start_2:
0x5e: {  	(tag) =	ssettag $0x2  }
0x5f: {  	s0 =	rddreg [dreg:$0x0];
	s2 =	stileid.u32  }
0x60: {  	s1 =	rddreg [dreg:$0x1];
	p0 =	sne.s32 s2, $0x0  }
0x61: {  	s3 =	rddreg [dreg:$0x2];
	[bflag:$0x3] =	sbarrier.arrive $0xFFFF;
	s2 =	simm.s32 @!p0 $0x1C0B  }
0x62: {  	[timem:s3], [sflag:s2] =	dma.local @!p0 [hbm:s0], s1  }
0x63: {  	s0 =	simm.s32 @!p0 $0xB  }
0x64: {  	_ =	swait.ge @!p0 [sflag:s0], s1  }
0x65: {  	s1 =	ssub.s32 @!p0 $0x0, s1;
	[sflag:s0] =	ssyncset.done @!p0 $0x0  }
0x66: {  	[sflag:s0] =	ssyncadd.s32 @!p0 s1  }
0x67: {  	[bflag:$0x3] =	sbarrier.arrive $0xFFFF  }
0x68: {  	_ =	shalt  }

</sc_bundles>
